<compile_context>
chip_gen: v7x
topology: tpu7x:2x2x1
jax: 0.10.2.dev20260603
libtpu: 0.0.44.dev20260713+nightly
codegen_flags: <defaults>
</compile_context>

<pallas_src>
import functools

import jax
import jax.numpy as jnp
from jax import lax
from jax.experimental import pallas as pl
from jax.experimental.pallas import tpu as pltpu
from jax.experimental.pallas import tpu_sc as plsc

_NUM_TEMPLATES = 1000
_NUM_ROLES = 64
_ROLE_DIM = 128
_B = 4096
_N = 50

_NW = 32
_CHUNK = _B * _N // _NW
_G = 80
_NG = _CHUNK // _G
_NBUF = 10
_LEAD = 6


def _sc_body(tid_hbm, role_hbm, tbl_hbm, out_hbm,
             tid_v, role_v, idx_v, bufs, gsems, ssems):
    cid = lax.axis_index("c")
    sid = lax.axis_index("s")
    wid = cid * 16 + sid
    base = wid * _CHUNK

    pltpu.sync_copy(tid_hbm, tid_v)
    pltpu.sync_copy(role_hbm.at[pl.ds(base, _CHUNK)], role_v)

    def idx_body(k, _):
        p0 = k * 16
        i0 = (base + p0) & (_B - 1)
        tv = tid_v[pl.ds(i0, 16)]
        rv = role_v[pl.ds(p0, 16)]
        idx_v[k // (_G // 16), pl.ds((k % (_G // 16)) * 16, 16)] = tv * _NUM_ROLES + rv
        return 0

    lax.fori_loop(0, _CHUNK // 16, idx_body, 0)

    def fire_gather(g, b):
        pltpu.async_copy(tbl_hbm.at[idx_v.at[g]], bufs[b], gsems[b])

    def wait_gather(g, b):
        pltpu.make_async_copy(
            tbl_hbm.at[idx_v.at[g]], bufs[b], gsems[b]).wait()

    def fire_scatter(g, b):
        pltpu.async_copy(
            bufs[b], out_hbm.at[pl.ds(base + g * _G, _G)], ssems[b])

    def wait_scatter(b):
        pltpu.make_async_copy(
            bufs[b], out_hbm.at[pl.ds(base, _G)], ssems[b]).wait()

    for g in range(_LEAD):
        fire_gather(g, g)

    def g_body(i, _):
        for b in range(_NBUF):
            g = i * _NBUF + b
            bf = (b + _LEAD) % _NBUF
            nf = g + _LEAD

            @pl.when(g < _NG)
            def _():
                @pl.when(jnp.logical_and(nf < _NG, nf >= _NBUF))
                def _():
                    wait_scatter(bf)

                @pl.when(nf < _NG)
                def _():
                    fire_gather(nf, bf)

                wait_gather(g, b)
                fire_scatter(g, b)
        return 0

    lax.fori_loop(0, (_NG + _NBUF - 1) // _NBUF, g_body, 0)

    for b in range(_NBUF):
        wait_scatter(b)


@jax.jit
def _lookup(tid, role_t_flat, tbl_flat):
    mesh = plsc.VectorSubcoreMesh(core_axis_name="c", subcore_axis_name="s")
    kfn = functools.partial(
        pl.kernel,
        mesh=mesh,
        compiler_params=pltpu.CompilerParams(needs_layout_passes=False),
        out_type=jax.ShapeDtypeStruct((_N * _B, _ROLE_DIM), jnp.float32),
        scratch_types=[
            pltpu.VMEM((_B,), jnp.int32),
            pltpu.VMEM((_CHUNK,), jnp.int32),
            pltpu.VMEM((_NG, _G), jnp.int32),
            [pltpu.VMEM((_G, _ROLE_DIM), jnp.float32) for _ in range(_NBUF)],
            [pltpu.SemaphoreType.DMA for _ in range(_NBUF)],
            [pltpu.SemaphoreType.DMA for _ in range(_NBUF)],
        ],
    )(_sc_body)
    return kfn(tid, role_t_flat, tbl_flat)


def kernel(template_id_int, atom_role, tables):
    tid = template_id_int.astype(jnp.int32)
    role_t_flat = atom_role.astype(jnp.int32).T.reshape(_N * _B)
    tbl_flat = tables.reshape(_NUM_TEMPLATES * _NUM_ROLES, _ROLE_DIM)
    out = _lookup(tid, role_t_flat, tbl_flat)
    return out.reshape(_N, _B, _ROLE_DIM).transpose(1, 0, 2)

# --- scband reference (transcript-rebuilt; emitter-appended) ---
"""Pipeline reference for scband-role-embedding-manager-70025146794162 (READ-ONLY COPY).

The authoritative reference and input builder live on the scoring server;
editing this copy changes nothing except your own understanding.
"""

import jax, jax.numpy as jnp
import numpy as np

NUM_TEMPLATES = 1000
NUM_ROLES = 64
ROLE_DIM = 128
B = 4096
N = 50


def setup_inputs(seed: int = 0) -> dict:
    key = jax.random.key(seed)
    k1, k2, k3 = jax.random.split(key, 3)
    # Xavier-uniform init for each per-template embedding table, stacked into one tensor
    a = float(np.sqrt(6.0 / (NUM_ROLES + ROLE_DIM)))
    tables = jax.random.uniform(k1, (NUM_TEMPLATES, NUM_ROLES, ROLE_DIM), minval=-a, maxval=a, dtype=jnp.float32)
    template_id_int = jax.random.randint(k2, (B,), 0, NUM_TEMPLATES, dtype=jnp.int64 if jax.config.jax_enable_x64 else jnp.int32)
    atom_role = jax.random.randint(k3, (B, N), 0, NUM_ROLES, dtype=jnp.int64 if jax.config.jax_enable_x64 else jnp.int32)
    return {"template_id_int": template_id_int, "atom_role": atom_role, "tables": tables}


def reference(template_id_int, atom_role, tables):
    # Select per-sample embedding table by template id: [B, NUM_ROLES, ROLE_DIM]
    sel = jnp.take(tables, template_id_int, axis=0)
    # Per-sample role gather: out[i] = sel[i][atom_role[i]] -> [B, N, ROLE_DIM]
    out = jax.vmap(lambda tbl, roles: jnp.take(tbl, roles, axis=0))(sel, atom_role)
    return out.astype(jnp.float32)

if __name__ == "__main__":
    import jax
    _d = setup_inputs()
    print(jax.jit(kernel)(*tuple(_d.values())))

</pallas_src>

<mosaic_0001>
#map = affine_map<(d0, d1) -> (0)>
#map1 = affine_map<(d0, d1) -> (0, 0)>
module attributes {stable_mosaic.version = 14 : i64} {
  func.func @_sc_body(%arg0: i32, %arg1: i32, %arg2: memref<4096xi32, #tpu.memory_space<hbm>>, %arg3: memref<204800xi32, #tpu.memory_space<hbm>>, %arg4: memref<64000x128xf32, #tpu.memory_space<hbm>>, %arg5: memref<204800x128xf32, #tpu.memory_space<hbm>>, %arg6: memref<4096xi32, #tpu.memory_space<vmem>>, %arg7: memref<6400xi32, #tpu.memory_space<vmem>>, %arg8: memref<80x80xi32, #tpu.memory_space<vmem>>, %arg9: memref<80x128xf32, #tpu.memory_space<vmem>>, %arg10: memref<80x128xf32, #tpu.memory_space<vmem>>, %arg11: memref<80x128xf32, #tpu.memory_space<vmem>>, %arg12: memref<80x128xf32, #tpu.memory_space<vmem>>, %arg13: memref<80x128xf32, #tpu.memory_space<vmem>>, %arg14: memref<80x128xf32, #tpu.memory_space<vmem>>, %arg15: memref<80x128xf32, #tpu.memory_space<vmem>>, %arg16: memref<80x128xf32, #tpu.memory_space<vmem>>, %arg17: memref<80x128xf32, #tpu.memory_space<vmem>>, %arg18: memref<80x128xf32, #tpu.memory_space<vmem>>, %arg19: memref<!tpu.dma_semaphore, #tpu.memory_space<semaphore_mem>>, %arg20: memref<!tpu.dma_semaphore, #tpu.memory_space<semaphore_mem>>, %arg21: memref<!tpu.dma_semaphore, #tpu.memory_space<semaphore_mem>>, %arg22: memref<!tpu.dma_semaphore, #tpu.memory_space<semaphore_mem>>, %arg23: memref<!tpu.dma_semaphore, #tpu.memory_space<semaphore_mem>>, %arg24: memref<!tpu.dma_semaphore, #tpu.memory_space<semaphore_mem>>, %arg25: memref<!tpu.dma_semaphore, #tpu.memory_space<semaphore_mem>>, %arg26: memref<!tpu.dma_semaphore, #tpu.memory_space<semaphore_mem>>, %arg27: memref<!tpu.dma_semaphore, #tpu.memory_space<semaphore_mem>>, %arg28: memref<!tpu.dma_semaphore, #tpu.memory_space<semaphore_mem>>, %arg29: memref<!tpu.dma_semaphore, #tpu.memory_space<semaphore_mem>>, %arg30: memref<!tpu.dma_semaphore, #tpu.memory_space<semaphore_mem>>, %arg31: memref<!tpu.dma_semaphore, #tpu.memory_space<semaphore_mem>>, %arg32: memref<!tpu.dma_semaphore, #tpu.memory_space<semaphore_mem>>, %arg33: memref<!tpu.dma_semaphore, #tpu.memory_space<semaphore_mem>>, %arg34: memref<!tpu.dma_semaphore, #tpu.memory_space<semaphore_mem>>, %arg35: memref<!tpu.dma_semaphore, #tpu.memory_space<semaphore_mem>>, %arg36: memref<!tpu.dma_semaphore, #tpu.memory_space<semaphore_mem>>, %arg37: memref<!tpu.dma_semaphore, #tpu.memory_space<semaphore_mem>>, %arg38: memref<!tpu.dma_semaphore, #tpu.memory_space<semaphore_mem>>) attributes {dimension_semantics = [#tpu.dimension_semantics<core_parallel>, #tpu.dimension_semantics<subcore_parallel>], iteration_bounds = array<i64: 2, 16>, scalar_prefetch = 0 : i64, scratch_operands = 33 : i64, tpu.core_type = #tpu.core_type<sc_vector_subcore>, window_params = [{transform_indices = #map}, {transform_indices = #map}, {transform_indices = #map1}, {transform_indices = #map1}]} {
    %mul3A = arith.constant 16 : i32
    %mul3A_0 = arith.muli %arg0, %mul3A : i32
    %add3A = arith.addi %mul3A_0, %arg1 : i32
    %mul3A_1 = arith.constant 6400 : i32
    %mul3A_2 = arith.muli %add3A, %mul3A_1 : i32
    "tpu.region"() ({
      %run_scoped3A = tpu.sem_alloc : memref<!tpu.dma_semaphore, #tpu.memory_space<semaphore_mem>>
      tpu.enqueue_dma source(%arg2 : memref<4096xi32, #tpu.memory_space<hbm>>) target(%arg6 : memref<4096xi32, #tpu.memory_space<vmem>>) target_semaphore(%run_scoped3A : memref<!tpu.dma_semaphore, #tpu.memory_space<semaphore_mem>>)
      tpu.wait_dma2 semaphore(%run_scoped3A : memref<!tpu.dma_semaphore, #tpu.memory_space<semaphore_mem>>) src(%arg2 : memref<4096xi32, #tpu.memory_space<hbm>>) dst(%arg6 : memref<4096xi32, #tpu.memory_space<vmem>>)
      tpu.yield
    }) : () -> ()
    "tpu.region"() ({
      %run_scoped3A = tpu.sem_alloc : memref<!tpu.dma_semaphore, #tpu.memory_space<semaphore_mem>>
      %dma_start3A_96 = tpu.memref_slice %arg3[%mul3A_2] : memref<204800xi32, #tpu.memory_space<hbm>> -> memref<6400xi32, #tpu.memory_space<hbm>>
      %dma_start3A_97 = tpu.memref_slice %arg3[%mul3A_2] : memref<204800xi32, #tpu.memory_space<hbm>> -> memref<6400xi32, #tpu.memory_space<hbm>>
      tpu.enqueue_dma source(%dma_start3A_97 : memref<6400xi32, #tpu.memory_space<hbm>>) target(%arg7 : memref<6400xi32, #tpu.memory_space<vmem>>) target_semaphore(%run_scoped3A : memref<!tpu.dma_semaphore, #tpu.memory_space<semaphore_mem>>)
      %dma_wait3A_98 = tpu.memref_slice %arg3[%mul3A_2] : memref<204800xi32, #tpu.memory_space<hbm>> -> memref<6400xi32, #tpu.memory_space<hbm>>
      %dma_wait3A_99 = tpu.memref_slice %arg3[%mul3A_2] : memref<204800xi32, #tpu.memory_space<hbm>> -> memref<6400xi32, #tpu.memory_space<hbm>>
      tpu.wait_dma2 semaphore(%run_scoped3A : memref<!tpu.dma_semaphore, #tpu.memory_space<semaphore_mem>>) src(%dma_wait3A_99 : memref<6400xi32, #tpu.memory_space<hbm>>) dst(%arg7 : memref<6400xi32, #tpu.memory_space<vmem>>)
      tpu.yield
    }) : () -> ()
    %scan3A = arith.constant 0 : i32
    %scan3A_3 = arith.constant 0 : i32
    %scan3A_4 = arith.constant 400 : i32
    %scan3A_5 = arith.addi %scan3A_3, %scan3A_4 : i32
    %scan3A_6 = arith.constant 1 : i32
    %scan3A_7 = scf.for %scan3A_96 = %scan3A_3 to %scan3A_5 step %scan3A_6 iter_args(%scan3A_97 = %scan3A) -> (i32)  : i32 {
      %mul3A_98 = arith.constant 16 : i32
      %mul3A_99 = arith.muli %scan3A_96, %mul3A_98 : i32
      %add3A_100 = arith.addi %mul3A_2, %mul3A_99 : i32
      %and3A = arith.constant 4095 : i32
      %and3A_101 = arith.andi %add3A_100, %and3A : i32
      %get3A = arith.index_cast %and3A_101 : i32 to index
      %get3A_102 = tpu.vector_load %arg6[%get3A] {strides = array<i32>} : memref<4096xi32, #tpu.memory_space<vmem>>, vector<16xi32>,
      %get3A_103 = arith.index_cast %mul3A_99 : i32 to index
      %get3A_104 = tpu.vector_load %arg7[%get3A_103] {strides = array<i32>} : memref<6400xi32, #tpu.memory_space<vmem>>, vector<16xi32>,
      %mul3A_105 = arith.constant 64 : i32
      %mul3A_106 = vector.broadcast %mul3A_105 : i32 to vector<16xi32>
      %mul3A_107 = arith.muli %get3A_102, %mul3A_106 : vector<16xi32>
      %add3A_108 = arith.addi %mul3A_107, %get3A_104 : vector<16xi32>
      %jit3A = arith.constant 5 : i32
      %div3A = arith.divsi %scan3A_96, %jit3A : i32
      %sign3A = arith.constant 0 : i32
      %sign3A_109 = arith.cmpi sgt, %scan3A_96, %sign3A : i32
      %sign3A_110 = arith.extui %sign3A_109 : i1 to i32
      %sign3A_111 = arith.constant 0 : i32
      %sign3A_112 = arith.cmpi slt, %scan3A_96, %sign3A_111 : i32
      %sign3A_113 = arith.extui %sign3A_112 : i1 to i32
      %sign3A_114 = arith.subi %sign3A_110, %sign3A_113 : i32
      %sign3A_115 = arith.constant 0 : i32
      %sign3A_116 = arith.cmpi sgt, %jit3A, %sign3A_115 : i32
      %sign3A_117 = arith.extui %sign3A_116 : i1 to i32
      %sign3A_118 = arith.constant 0 : i32
      %sign3A_119 = arith.cmpi slt, %jit3A, %sign3A_118 : i32
      %sign3A_120 = arith.extui %sign3A_119 : i1 to i32
      %sign3A_121 = arith.subi %sign3A_117, %sign3A_120 : i32
      %ne3A = arith.cmpi ne, %sign3A_114, %sign3A_121 : i32
      %rem3A = arith.remsi %scan3A_96, %jit3A : i32
      %ne3A_122 = arith.constant 0 : i32
      %ne3A_123 = arith.cmpi ne, %rem3A, %ne3A_122 : i32
      %and3A_124 = arith.andi %ne3A, %ne3A_123 : i1
      %sub3A = arith.constant 1 : i32
      %sub3A_125 = arith.subi %div3A, %sub3A : i32
      %select_n3A = arith.select %and3A_124, %sub3A_125, %div3A : i32
      %jit3A_126 = arith.constant 5 : i32
      %eq3A = arith.constant 0 : i32
      %eq3A_127 = arith.cmpi eq, %jit3A_126, %eq3A : i32
      %jit3A_128 = arith.constant 1 : i32
      %select_n3A_129 = arith.select %eq3A_127, %jit3A_128, %jit3A_126 : i32
      %rem3A_130 = arith.remsi %scan3A_96, %select_n3A_129 : i32
      %ne3A_131 = arith.constant 0 : i32
      %ne3A_132 = arith.cmpi ne, %rem3A_130, %ne3A_131 : i32
      %lt3A = arith.constant 0 : i32
      %lt3A_133 = arith.cmpi slt, %rem3A_130, %lt3A : i32
      %lt3A_134 = arith.constant 0 : i32
      %lt3A_135 = arith.cmpi slt, %select_n3A_129, %lt3A_134 : i32
      %ne3A_136 = arith.xori %lt3A_133, %lt3A_135 : i1
      %and3A_137 = arith.andi %ne3A_136, %ne3A_132 : i1
      %add3A_138 = arith.addi %rem3A_130, %select_n3A_129 : i32
      %select_n3A_139 = arith.select %and3A_137, %add3A_138, %rem3A_130 : i32
      %mul3A_140 = arith.constant 16 : i32
      %mul3A_141 = arith.muli %select_n3A_139, %mul3A_140 : i32
      %swap3A = arith.index_cast %select_n3A : i32 to index
      %swap3A_142 = arith.index_cast %mul3A_141 : i32 to index
      %swap3A_143 = tpu.vector_load %arg8[%swap3A, %swap3A_142] {strides = array<i32>} : memref<80x80xi32, #tpu.memory_space<vmem>>, vector<16xi32>,
      tpu.vector_store %arg8[%swap3A, %swap3A_142], %add3A_108 {strides = array<i32>} : memref<80x80xi32, #tpu.memory_space<vmem>>, vector<16xi32>,
      %scan3A_144 = arith.constant 0 : i32
      scf.yield %scan3A_144 : i32
    }
    %scan3A_8 = arith.constant 400 : i32
    %dma_start3A = arith.constant 0 : i32
    %dma_start3A_9 = arith.constant 0 : i32
    %dma_start3A_10 = tpu.memref_slice %arg8[%dma_start3A, %dma_start3A_9] : memref<80x80xi32, #tpu.memory_space<vmem>> -> memref<1x80xi32, #tpu.memory_space<vmem>>
    %dma_start3A_11 = tpu.memref_squeeze %dma_start3A_10 : memref<1x80xi32, #tpu.memory_space<vmem>> -> memref<80xi32, #tpu.memory_space<vmem>>
    %dma_start3A_12 = arith.constant 0 : i32
    %dma_start3A_13 = arith.constant 0 : i32
    %dma_start3A_14 = tpu.memref_slice %arg4[%dma_start3A_12, %dma_start3A_13] : memref<64000x128xf32, #tpu.memory_space<hbm>> -> memref<64000x128xf32, #tpu.memory_space<hbm>>
    tpu.enqueue_indirect_dma source(%dma_start3A_14 : memref<64000x128xf32, #tpu.memory_space<hbm>>) target(%arg9 : memref<80x128xf32, #tpu.memory_space<vmem>>) offsets(%dma_start3A_11 : memref<80xi32, #tpu.memory_space<vmem>>) semaphore(%arg19 : memref<!tpu.dma_semaphore, #tpu.memory_space<semaphore_mem>>)
    %dma_start3A_15 = arith.constant 1 : i32
    %dma_start3A_16 = arith.constant 0 : i32
    %dma_start3A_17 = tpu.memref_slice %arg8[%dma_start3A_15, %dma_start3A_16] : memref<80x80xi32, #tpu.memory_space<vmem>> -> memref<1x80xi32, #tpu.memory_space<vmem>>
    %dma_start3A_18 = tpu.memref_squeeze %dma_start3A_17 : memref<1x80xi32, #tpu.memory_space<vmem>> -> memref<80xi32, #tpu.memory_space<vmem>>
    %dma_start3A_19 = arith.constant 0 : i32
    %dma_start3A_20 = arith.constant 0 : i32
    %dma_start3A_21 = tpu.memref_slice %arg4[%dma_start3A_19, %dma_start3A_20] : memref<64000x128xf32, #tpu.memory_space<hbm>> -> memref<64000x128xf32, #tpu.memory_space<hbm>>
    tpu.enqueue_indirect_dma source(%dma_start3A_21 : memref<64000x128xf32, #tpu.memory_space<hbm>>) target(%arg10 : memref<80x128xf32, #tpu.memory_space<vmem>>) offsets(%dma_start3A_18 : memref<80xi32, #tpu.memory_space<vmem>>) semaphore(%arg20 : memref<!tpu.dma_semaphore, #tpu.memory_space<semaphore_mem>>)
    %dma_start3A_22 = arith.constant 2 : i32
    %dma_start3A_23 = arith.constant 0 : i32
    %dma_start3A_24 = tpu.memref_slice %arg8[%dma_start3A_22, %dma_start3A_23] : memref<80x80xi32, #tpu.memory_space<vmem>> -> memref<1x80xi32, #tpu.memory_space<vmem>>
    %dma_start3A_25 = tpu.memref_squeeze %dma_start3A_24 : memref<1x80xi32, #tpu.memory_space<vmem>> -> memref<80xi32, #tpu.memory_space<vmem>>
    %dma_start3A_26 = arith.constant 0 : i32
    %dma_start3A_27 = arith.constant 0 : i32
    %dma_start3A_28 = tpu.memref_slice %arg4[%dma_start3A_26, %dma_start3A_27] : memref<64000x128xf32, #tpu.memory_space<hbm>> -> memref<64000x128xf32, #tpu.memory_space<hbm>>
    tpu.enqueue_indirect_dma source(%dma_start3A_28 : memref<64000x128xf32, #tpu.memory_space<hbm>>) target(%arg11 : memref<80x128xf32, #tpu.memory_space<vmem>>) offsets(%dma_start3A_25 : memref<80xi32, #tpu.memory_space<vmem>>) semaphore(%arg21 : memref<!tpu.dma_semaphore, #tpu.memory_space<semaphore_mem>>)
    %dma_start3A_29 = arith.constant 3 : i32
    %dma_start3A_30 = arith.constant 0 : i32
    %dma_start3A_31 = tpu.memref_slice %arg8[%dma_start3A_29, %dma_start3A_30] : memref<80x80xi32, #tpu.memory_space<vmem>> -> memref<1x80xi32, #tpu.memory_space<vmem>>
    %dma_start3A_32 = tpu.memref_squeeze %dma_start3A_31 : memref<1x80xi32, #tpu.memory_space<vmem>> -> memref<80xi32, #tpu.memory_space<vmem>>
    %dma_start3A_33 = arith.constant 0 : i32
    %dma_start3A_34 = arith.constant 0 : i32
    %dma_start3A_35 = tpu.memref_slice %arg4[%dma_start3A_33, %dma_start3A_34] : memref<64000x128xf32, #tpu.memory_space<hbm>> -> memref<64000x128xf32, #tpu.memory_space<hbm>>
    tpu.enqueue_indirect_dma source(%dma_start3A_35 : memref<64000x128xf32, #tpu.memory_space<hbm>>) target(%arg12 : memref<80x128xf32, #tpu.memory_space<vmem>>) offsets(%dma_start3A_32 : memref<80xi32, #tpu.memory_space<vmem>>) semaphore(%arg22 : memref<!tpu.dma_semaphore, #tpu.memory_space<semaphore_mem>>)
    %dma_start3A_36 = arith.constant 4 : i32
    %dma_start3A_37 = arith.constant 0 : i32
    %dma_start3A_38 = tpu.memref_slice %arg8[%dma_start3A_36, %dma_start3A_37] : memref<80x80xi32, #tpu.memory_space<vmem>> -> memref<1x80xi32, #tpu.memory_space<vmem>>
    %dma_start3A_39 = tpu.memref_squeeze %dma_start3A_38 : memref<1x80xi32, #tpu.memory_space<vmem>> -> memref<80xi32, #tpu.memory_space<vmem>>
    %dma_start3A_40 = arith.constant 0 : i32
    %dma_start3A_41 = arith.constant 0 : i32
    %dma_start3A_42 = tpu.memref_slice %arg4[%dma_start3A_40, %dma_start3A_41] : memref<64000x128xf32, #tpu.memory_space<hbm>> -> memref<64000x128xf32, #tpu.memory_space<hbm>>
    tpu.enqueue_indirect_dma source(%dma_start3A_42 : memref<64000x128xf32, #tpu.memory_space<hbm>>) target(%arg13 : memref<80x128xf32, #tpu.memory_space<vmem>>) offsets(%dma_start3A_39 : memref<80xi32, #tpu.memory_space<vmem>>) semaphore(%arg23 : memref<!tpu.dma_semaphore, #tpu.memory_space<semaphore_mem>>)
    %dma_start3A_43 = arith.constant 5 : i32
    %dma_start3A_44 = arith.constant 0 : i32
    %dma_start3A_45 = tpu.memref_slice %arg8[%dma_start3A_43, %dma_start3A_44] : memref<80x80xi32, #tpu.memory_space<vmem>> -> memref<1x80xi32, #tpu.memory_space<vmem>>
    %dma_start3A_46 = tpu.memref_squeeze %dma_start3A_45 : memref<1x80xi32, #tpu.memory_space<vmem>> -> memref<80xi32, #tpu.memory_space<vmem>>
    %dma_start3A_47 = arith.constant 0 : i32
    %dma_start3A_48 = arith.constant 0 : i32
    %dma_start3A_49 = tpu.memref_slice %arg4[%dma_start3A_47, %dma_start3A_48] : memref<64000x128xf32, #tpu.memory_space<hbm>> -> memref<64000x128xf32, #tpu.memory_space<hbm>>
    tpu.enqueue_indirect_dma source(%dma_start3A_49 : memref<64000x128xf32, #tpu.memory_space<hbm>>) target(%arg14 : memref<80x128xf32, #tpu.memory_space<vmem>>) offsets(%dma_start3A_46 : memref<80xi32, #tpu.memory_space<vmem>>) semaphore(%arg24 : memref<!tpu.dma_semaphore, #tpu.memory_space<semaphore_mem>>)
    %scan3A_50 = arith.constant 0 : i32
    %scan3A_51 = arith.constant 0 : i32
    %scan3A_52 = arith.constant 8 : i32
    %scan3A_53 = arith.addi %scan3A_51, %scan3A_52 : i32
    %scan3A_54 = arith.constant 1 : i32
    %scan3A_55 = scf.for %scan3A_96 = %scan3A_51 to %scan3A_53 step %scan3A_54 iter_args(%scan3A_97 = %scan3A_50) -> (i32)  : i32 {
      %mul3A_98 = arith.constant 10 : i32
      %mul3A_99 = arith.muli %scan3A_96, %mul3A_98 : i32
      %add3A_100 = arith.constant 0 : i32
      %add3A_101 = arith.addi %mul3A_99, %add3A_100 : i32
      %add3A_102 = arith.constant 6 : i32
      %add3A_103 = arith.addi %add3A_101, %add3A_102 : i32
      %lt3A = arith.constant 80 : i32
      %lt3A_104 = arith.cmpi slt, %add3A_101, %lt3A : i32
      %convert_element_type3A = arith.extui %lt3A_104 : i1 to i32
      %cond3A = arith.constant 0 : i32
      %cond3A_105 = arith.cmpi ne, %convert_element_type3A, %cond3A : i32
      scf.if %cond3A_105 {
        %lt3A_206 = arith.constant 80 : i32
        %lt3A_207 = arith.cmpi slt, %add3A_103, %lt3A_206 : i32
        %ge3A = arith.constant 10 : i32
        %ge3A_208 = arith.cmpi sge, %add3A_103, %ge3A : i32
        %and3A = arith.andi %lt3A_207, %ge3A_208 : i1
        %convert_element_type3A_209 = arith.extui %and3A : i1 to i32
        %cond3A_210 = arith.constant 0 : i32
        %cond3A_211 = arith.cmpi ne, %convert_element_type3A_209, %cond3A_210 : i32
        scf.if %cond3A_211 {
          %dma_wait3A_230 = arith.constant 0 : i32
          %dma_wait3A_231 = tpu.memref_slice %arg5[%mul3A_2, %dma_wait3A_230] : memref<204800x128xf32, #tpu.memory_space<hbm>> -> memref<80x128xf32, #tpu.memory_space<hbm>>
          %dma_wait3A_232 = arith.constant 0 : i32
          %dma_wait3A_233 = tpu.memref_slice %arg5[%mul3A_2, %dma_wait3A_232] : memref<204800x128xf32, #tpu.memory_space<hbm>> -> memref<80x128xf32, #tpu.memory_space<hbm>>
          tpu.wait_dma2 semaphore(%arg35 : memref<!tpu.dma_semaphore, #tpu.memory_space<semaphore_mem>>) src(%arg15 : memref<80x128xf32, #tpu.memory_space<vmem>>) dst(%dma_wait3A_233 : memref<80x128xf32, #tpu.memory_space<hbm>>)
        } else {
        }
        %lt3A_212 = arith.constant 80 : i32
        %lt3A_213 = arith.cmpi slt, %add3A_103, %lt3A_212 : i32
        %convert_element_type3A_214 = arith.extui %lt3A_213 : i1 to i32
        %cond3A_215 = arith.constant 0 : i32
        %cond3A_216 = arith.cmpi ne, %convert_element_type3A_214, %cond3A_215 : i32
        scf.if %cond3A_216 {
          %dma_start3A_230 = arith.constant 0 : i32
          %dma_start3A_231 = tpu.memref_slice %arg8[%add3A_103, %dma_start3A_230] : memref<80x80xi32, #tpu.memory_space<vmem>> -> memref<1x80xi32, #tpu.memory_space<vmem>>
          %dma_start3A_232 = tpu.memref_squeeze %dma_start3A_231 : memref<1x80xi32, #tpu.memory_space<vmem>> -> memref<80xi32, #tpu.memory_space<vmem>>
          %dma_start3A_233 = arith.constant 0 : i32
          %dma_start3A_234 = arith.constant 0 : i32
          %dma_start3A_235 = tpu.memref_slice %arg4[%dma_start3A_233, %dma_start3A_234] : memref<64000x128xf32, #tpu.memory_space<hbm>> -> memref<64000x128xf32, #tpu.memory_space<hbm>>
          tpu.enqueue_indirect_dma source(%dma_start3A_235 : memref<64000x128xf32, #tpu.memory_space<hbm>>) target(%arg15 : memref<80x128xf32, #tpu.memory_space<vmem>>) offsets(%dma_start3A_232 : memref<80xi32, #tpu.memory_space<vmem>>) semaphore(%arg25 : memref<!tpu.dma_semaphore, #tpu.memory_space<semaphore_mem>>)
        } else {
        }
        %dma_wait3A_217 = arith.constant 0 : i32
        %dma_wait3A_218 = tpu.memref_slice %arg8[%add3A_101, %dma_wait3A_217] : memref<80x80xi32, #tpu.memory_space<vmem>> -> memref<1x80xi32, #tpu.memory_space<vmem>>
        %dma_wait3A_219 = tpu.memref_squeeze %dma_wait3A_218 : memref<1x80xi32, #tpu.memory_space<vmem>> -> memref<80xi32, #tpu.memory_space<vmem>>
        %dma_wait3A_220 = arith.constant 0 : i32
        %dma_wait3A_221 = arith.constant 0 : i32
        %dma_wait3A_222 = tpu.memref_slice %arg4[%dma_wait3A_220, %dma_wait3A_221] : memref<64000x128xf32, #tpu.memory_space<hbm>> -> memref<64000x128xf32, #tpu.memory_space<hbm>>
        tpu.wait_indirect_dma semaphore(%arg19 : memref<!tpu.dma_semaphore, #tpu.memory_space<semaphore_mem>>) src(%dma_wait3A_222 : memref<64000x128xf32, #tpu.memory_space<hbm>>) dst(%arg9 : memref<80x128xf32, #tpu.memory_space<vmem>>)
        %mul3A_223 = arith.constant 80 : i32
        %mul3A_224 = arith.muli %add3A_101, %mul3A_223 : i32
        %add3A_225 = arith.addi %mul3A_2, %mul3A_224 : i32
        %dma_start3A_226 = arith.constant 0 : i32
        %dma_start3A_227 = tpu.memref_slice %arg5[%add3A_225, %dma_start3A_226] : memref<204800x128xf32, #tpu.memory_space<hbm>> -> memref<80x128xf32, #tpu.memory_space<hbm>>
        %dma_start3A_228 = arith.constant 0 : i32
        %dma_start3A_229 = tpu.memref_slice %arg5[%add3A_225, %dma_start3A_228] : memref<204800x128xf32, #tpu.memory_space<hbm>> -> memref<80x128xf32, #tpu.memory_space<hbm>>
        tpu.enqueue_dma source(%arg9 : memref<80x128xf32, #tpu.memory_space<vmem>>) target(%dma_start3A_229 : memref<80x128xf32, #tpu.memory_space<hbm>>) target_semaphore(%arg29 : memref<!tpu.dma_semaphore, #tpu.memory_space<semaphore_mem>>)
      } else {
      }
      %mul3A_106 = arith.constant 10 : i32
      %mul3A_107 = arith.muli %scan3A_96, %mul3A_106 : i32
      %add3A_108 = arith.constant 1 : i32
      %add3A_109 = arith.addi %mul3A_107, %add3A_108 : i32
      %add3A_110 = arith.constant 6 : i32
      %add3A_111 = arith.addi %add3A_109, %add3A_110 : i32
      %lt3A_112 = arith.constant 80 : i32
      %lt3A_113 = arith.cmpi slt, %add3A_109, %lt3A_112 : i32
      %convert_element_type3A_114 = arith.extui %lt3A_113 : i1 to i32
      %cond3A_115 = arith.constant 0 : i32
      %cond3A_116 = arith.cmpi ne, %convert_element_type3A_114, %cond3A_115 : i32
      scf.if %cond3A_116 {
        %lt3A_206 = arith.constant 80 : i32
        %lt3A_207 = arith.cmpi slt, %add3A_111, %lt3A_206 : i32
        %ge3A = arith.constant 10 : i32
        %ge3A_208 = arith.cmpi sge, %add3A_111, %ge3A : i32
        %and3A = arith.andi %lt3A_207, %ge3A_208 : i1
        %convert_element_type3A_209 = arith.extui %and3A : i1 to i32
        %cond3A_210 = arith.constant 0 : i32
        %cond3A_211 = arith.cmpi ne, %convert_element_type3A_209, %cond3A_210 : i32
        scf.if %cond3A_211 {
          %dma_wait3A_230 = arith.constant 0 : i32
          %dma_wait3A_231 = tpu.memref_slice %arg5[%mul3A_2, %dma_wait3A_230] : memref<204800x128xf32, #tpu.memory_space<hbm>> -> memref<80x128xf32, #tpu.memory_space<hbm>>
          %dma_wait3A_232 = arith.constant 0 : i32
          %dma_wait3A_233 = tpu.memref_slice %arg5[%mul3A_2, %dma_wait3A_232] : memref<204800x128xf32, #tpu.memory_space<hbm>> -> memref<80x128xf32, #tpu.memory_space<hbm>>
          tpu.wait_dma2 semaphore(%arg36 : memref<!tpu.dma_semaphore, #tpu.memory_space<semaphore_mem>>) src(%arg16 : memref<80x128xf32, #tpu.memory_space<vmem>>) dst(%dma_wait3A_233 : memref<80x128xf32, #tpu.memory_space<hbm>>)
        } else {
        }
        %lt3A_212 = arith.constant 80 : i32
        %lt3A_213 = arith.cmpi slt, %add3A_111, %lt3A_212 : i32
        %convert_element_type3A_214 = arith.extui %lt3A_213 : i1 to i32
        %cond3A_215 = arith.constant 0 : i32
        %cond3A_216 = arith.cmpi ne, %convert_element_type3A_214, %cond3A_215 : i32
        scf.if %cond3A_216 {
          %dma_start3A_230 = arith.constant 0 : i32
          %dma_start3A_231 = tpu.memref_slice %arg8[%add3A_111, %dma_start3A_230] : memref<80x80xi32, #tpu.memory_space<vmem>> -> memref<1x80xi32, #tpu.memory_space<vmem>>
          %dma_start3A_232 = tpu.memref_squeeze %dma_start3A_231 : memref<1x80xi32, #tpu.memory_space<vmem>> -> memref<80xi32, #tpu.memory_space<vmem>>
          %dma_start3A_233 = arith.constant 0 : i32
          %dma_start3A_234 = arith.constant 0 : i32
          %dma_start3A_235 = tpu.memref_slice %arg4[%dma_start3A_233, %dma_start3A_234] : memref<64000x128xf32, #tpu.memory_space<hbm>> -> memref<64000x128xf32, #tpu.memory_space<hbm>>
          tpu.enqueue_indirect_dma source(%dma_start3A_235 : memref<64000x128xf32, #tpu.memory_space<hbm>>) target(%arg16 : memref<80x128xf32, #tpu.memory_space<vmem>>) offsets(%dma_start3A_232 : memref<80xi32, #tpu.memory_space<vmem>>) semaphore(%arg26 : memref<!tpu.dma_semaphore, #tpu.memory_space<semaphore_mem>>)
        } else {
        }
        %dma_wait3A_217 = arith.constant 0 : i32
        %dma_wait3A_218 = tpu.memref_slice %arg8[%add3A_109, %dma_wait3A_217] : memref<80x80xi32, #tpu.memory_space<vmem>> -> memref<1x80xi32, #tpu.memory_space<vmem>>
        %dma_wait3A_219 = tpu.memref_squeeze %dma_wait3A_218 : memref<1x80xi32, #tpu.memory_space<vmem>> -> memref<80xi32, #tpu.memory_space<vmem>>
        %dma_wait3A_220 = arith.constant 0 : i32
        %dma_wait3A_221 = arith.constant 0 : i32
        %dma_wait3A_222 = tpu.memref_slice %arg4[%dma_wait3A_220, %dma_wait3A_221] : memref<64000x128xf32, #tpu.memory_space<hbm>> -> memref<64000x128xf32, #tpu.memory_space<hbm>>
        tpu.wait_indirect_dma semaphore(%arg20 : memref<!tpu.dma_semaphore, #tpu.memory_space<semaphore_mem>>) src(%dma_wait3A_222 : memref<64000x128xf32, #tpu.memory_space<hbm>>) dst(%arg10 : memref<80x128xf32, #tpu.memory_space<vmem>>)
        %mul3A_223 = arith.constant 80 : i32
        %mul3A_224 = arith.muli %add3A_109, %mul3A_223 : i32
        %add3A_225 = arith.addi %mul3A_2, %mul3A_224 : i32
        %dma_start3A_226 = arith.constant 0 : i32
        %dma_start3A_227 = tpu.memref_slice %arg5[%add3A_225, %dma_start3A_226] : memref<204800x128xf32, #tpu.memory_space<hbm>> -> memref<80x128xf32, #tpu.memory_space<hbm>>
        %dma_start3A_228 = arith.constant 0 : i32
        %dma_start3A_229 = tpu.memref_slice %arg5[%add3A_225, %dma_start3A_228] : memref<204800x128xf32, #tpu.memory_space<hbm>> -> memref<80x128xf32, #tpu.memory_space<hbm>>
        tpu.enqueue_dma source(%arg10 : memref<80x128xf32, #tpu.memory_space<vmem>>) target(%dma_start3A_229 : memref<80x128xf32, #tpu.memory_space<hbm>>) target_semaphore(%arg30 : memref<!tpu.dma_semaphore, #tpu.memory_space<semaphore_mem>>)
      } else {
      }
      %mul3A_117 = arith.constant 10 : i32
      %mul3A_118 = arith.muli %scan3A_96, %mul3A_117 : i32
      %add3A_119 = arith.constant 2 : i32
      %add3A_120 = arith.addi %mul3A_118, %add3A_119 : i32
      %add3A_121 = arith.constant 6 : i32
      %add3A_122 = arith.addi %add3A_120, %add3A_121 : i32
      %lt3A_123 = arith.constant 80 : i32
      %lt3A_124 = arith.cmpi slt, %add3A_120, %lt3A_123 : i32
      %convert_element_type3A_125 = arith.extui %lt3A_124 : i1 to i32
      %cond3A_126 = arith.constant 0 : i32
      %cond3A_127 = arith.cmpi ne, %convert_element_type3A_125, %cond3A_126 : i32
      scf.if %cond3A_127 {
        %lt3A_206 = arith.constant 80 : i32
        %lt3A_207 = arith.cmpi slt, %add3A_122, %lt3A_206 : i32
        %ge3A = arith.constant 10 : i32
        %ge3A_208 = arith.cmpi sge, %add3A_122, %ge3A : i32
        %and3A = arith.andi %lt3A_207, %ge3A_208 : i1
        %convert_element_type3A_209 = arith.extui %and3A : i1 to i32
        %cond3A_210 = arith.constant 0 : i32
        %cond3A_211 = arith.cmpi ne, %convert_element_type3A_209, %cond3A_210 : i32
        scf.if %cond3A_211 {
          %dma_wait3A_230 = arith.constant 0 : i32
          %dma_wait3A_231 = tpu.memref_slice %arg5[%mul3A_2, %dma_wait3A_230] : memref<204800x128xf32, #tpu.memory_space<hbm>> -> memref<80x128xf32, #tpu.memory_space<hbm>>
          %dma_wait3A_232 = arith.constant 0 : i32
          %dma_wait3A_233 = tpu.memref_slice %arg5[%mul3A_2, %dma_wait3A_232] : memref<204800x128xf32, #tpu.memory_space<hbm>> -> memref<80x128xf32, #tpu.memory_space<hbm>>
          tpu.wait_dma2 semaphore(%arg37 : memref<!tpu.dma_semaphore, #tpu.memory_space<semaphore_mem>>) src(%arg17 : memref<80x128xf32, #tpu.memory_space<vmem>>) dst(%dma_wait3A_233 : memref<80x128xf32, #tpu.memory_space<hbm>>)
        } else {
        }
        %lt3A_212 = arith.constant 80 : i32
        %lt3A_213 = arith.cmpi slt, %add3A_122, %lt3A_212 : i32
        %convert_element_type3A_214 = arith.extui %lt3A_213 : i1 to i32
        %cond3A_215 = arith.constant 0 : i32
        %cond3A_216 = arith.cmpi ne, %convert_element_type3A_214, %cond3A_215 : i32
        scf.if %cond3A_216 {
          %dma_start3A_230 = arith.constant 0 : i32
          %dma_start3A_231 = tpu.memref_slice %arg8[%add3A_122, %dma_start3A_230] : memref<80x80xi32, #tpu.memory_space<vmem>> -> memref<1x80xi32, #tpu.memory_space<vmem>>
          %dma_start3A_232 = tpu.memref_squeeze %dma_start3A_231 : memref<1x80xi32, #tpu.memory_space<vmem>> -> memref<80xi32, #tpu.memory_space<vmem>>
          %dma_start3A_233 = arith.constant 0 : i32
          %dma_start3A_234 = arith.constant 0 : i32
          %dma_start3A_235 = tpu.memref_slice %arg4[%dma_start3A_233, %dma_start3A_234] : memref<64000x128xf32, #tpu.memory_space<hbm>> -> memref<64000x128xf32, #tpu.memory_space<hbm>>
          tpu.enqueue_indirect_dma source(%dma_start3A_235 : memref<64000x128xf32, #tpu.memory_space<hbm>>) target(%arg17 : memref<80x128xf32, #tpu.memory_space<vmem>>) offsets(%dma_start3A_232 : memref<80xi32, #tpu.memory_space<vmem>>) semaphore(%arg27 : memref<!tpu.dma_semaphore, #tpu.memory_space<semaphore_mem>>)
        } else {
        }
        %dma_wait3A_217 = arith.constant 0 : i32
        %dma_wait3A_218 = tpu.memref_slice %arg8[%add3A_120, %dma_wait3A_217] : memref<80x80xi32, #tpu.memory_space<vmem>> -> memref<1x80xi32, #tpu.memory_space<vmem>>
        %dma_wait3A_219 = tpu.memref_squeeze %dma_wait3A_218 : memref<1x80xi32, #tpu.memory_space<vmem>> -> memref<80xi32, #tpu.memory_space<vmem>>
        %dma_wait3A_220 = arith.constant 0 : i32
        %dma_wait3A_221 = arith.constant 0 : i32
        %dma_wait3A_222 = tpu.memref_slice %arg4[%dma_wait3A_220, %dma_wait3A_221] : memref<64000x128xf32, #tpu.memory_space<hbm>> -> memref<64000x128xf32, #tpu.memory_space<hbm>>
        tpu.wait_indirect_dma semaphore(%arg21 : memref<!tpu.dma_semaphore, #tpu.memory_space<semaphore_mem>>) src(%dma_wait3A_222 : memref<64000x128xf32, #tpu.memory_space<hbm>>) dst(%arg11 : memref<80x128xf32, #tpu.memory_space<vmem>>)
        %mul3A_223 = arith.constant 80 : i32
        %mul3A_224 = arith.muli %add3A_120, %mul3A_223 : i32
        %add3A_225 = arith.addi %mul3A_2, %mul3A_224 : i32
        %dma_start3A_226 = arith.constant 0 : i32
        %dma_start3A_227 = tpu.memref_slice %arg5[%add3A_225, %dma_start3A_226] : memref<204800x128xf32, #tpu.memory_space<hbm>> -> memref<80x128xf32, #tpu.memory_space<hbm>>
        %dma_start3A_228 = arith.constant 0 : i32
        %dma_start3A_229 = tpu.memref_slice %arg5[%add3A_225, %dma_start3A_228] : memref<204800x128xf32, #tpu.memory_space<hbm>> -> memref<80x128xf32, #tpu.memory_space<hbm>>
        tpu.enqueue_dma source(%arg11 : memref<80x128xf32, #tpu.memory_space<vmem>>) target(%dma_start3A_229 : memref<80x128xf32, #tpu.memory_space<hbm>>) target_semaphore(%arg31 : memref<!tpu.dma_semaphore, #tpu.memory_space<semaphore_mem>>)
      } else {
      }
      %mul3A_128 = arith.constant 10 : i32
      %mul3A_129 = arith.muli %scan3A_96, %mul3A_128 : i32
      %add3A_130 = arith.constant 3 : i32
      %add3A_131 = arith.addi %mul3A_129, %add3A_130 : i32
      %add3A_132 = arith.constant 6 : i32
      %add3A_133 = arith.addi %add3A_131, %add3A_132 : i32
      %lt3A_134 = arith.constant 80 : i32
      %lt3A_135 = arith.cmpi slt, %add3A_131, %lt3A_134 : i32
      %convert_element_type3A_136 = arith.extui %lt3A_135 : i1 to i32
      %cond3A_137 = arith.constant 0 : i32
      %cond3A_138 = arith.cmpi ne, %convert_element_type3A_136, %cond3A_137 : i32
      scf.if %cond3A_138 {
        %lt3A_206 = arith.constant 80 : i32
        %lt3A_207 = arith.cmpi slt, %add3A_133, %lt3A_206 : i32
        %ge3A = arith.constant 10 : i32
        %ge3A_208 = arith.cmpi sge, %add3A_133, %ge3A : i32
        %and3A = arith.andi %lt3A_207, %ge3A_208 : i1
        %convert_element_type3A_209 = arith.extui %and3A : i1 to i32
        %cond3A_210 = arith.constant 0 : i32
        %cond3A_211 = arith.cmpi ne, %convert_element_type3A_209, %cond3A_210 : i32
        scf.if %cond3A_211 {
          %dma_wait3A_230 = arith.constant 0 : i32
          %dma_wait3A_231 = tpu.memref_slice %arg5[%mul3A_2, %dma_wait3A_230] : memref<204800x128xf32, #tpu.memory_space<hbm>> -> memref<80x128xf32, #tpu.memory_space<hbm>>
          %dma_wait3A_232 = arith.constant 0 : i32
          %dma_wait3A_233 = tpu.memref_slice %arg5[%mul3A_2, %dma_wait3A_232] : memref<204800x128xf32, #tpu.memory_space<hbm>> -> memref<80x128xf32, #tpu.memory_space<hbm>>
          tpu.wait_dma2 semaphore(%arg38 : memref<!tpu.dma_semaphore, #tpu.memory_space<semaphore_mem>>) src(%arg18 : memref<80x128xf32, #tpu.memory_space<vmem>>) dst(%dma_wait3A_233 : memref<80x128xf32, #tpu.memory_space<hbm>>)
        } else {
        }
        %lt3A_212 = arith.constant 80 : i32
        %lt3A_213 = arith.cmpi slt, %add3A_133, %lt3A_212 : i32
        %convert_element_type3A_214 = arith.extui %lt3A_213 : i1 to i32
        %cond3A_215 = arith.constant 0 : i32
        %cond3A_216 = arith.cmpi ne, %convert_element_type3A_214, %cond3A_215 : i32
        scf.if %cond3A_216 {
          %dma_start3A_230 = arith.constant 0 : i32
          %dma_start3A_231 = tpu.memref_slice %arg8[%add3A_133, %dma_start3A_230] : memref<80x80xi32, #tpu.memory_space<vmem>> -> memref<1x80xi32, #tpu.memory_space<vmem>>
          %dma_start3A_232 = tpu.memref_squeeze %dma_start3A_231 : memref<1x80xi32, #tpu.memory_space<vmem>> -> memref<80xi32, #tpu.memory_space<vmem>>
          %dma_start3A_233 = arith.constant 0 : i32
          %dma_start3A_234 = arith.constant 0 : i32
          %dma_start3A_235 = tpu.memref_slice %arg4[%dma_start3A_233, %dma_start3A_234] : memref<64000x128xf32, #tpu.memory_space<hbm>> -> memref<64000x128xf32, #tpu.memory_space<hbm>>
          tpu.enqueue_indirect_dma source(%dma_start3A_235 : memref<64000x128xf32, #tpu.memory_space<hbm>>) target(%arg18 : memref<80x128xf32, #tpu.memory_space<vmem>>) offsets(%dma_start3A_232 : memref<80xi32, #tpu.memory_space<vmem>>) semaphore(%arg28 : memref<!tpu.dma_semaphore, #tpu.memory_space<semaphore_mem>>)
        } else {
        }
        %dma_wait3A_217 = arith.constant 0 : i32
        %dma_wait3A_218 = tpu.memref_slice %arg8[%add3A_131, %dma_wait3A_217] : memref<80x80xi32, #tpu.memory_space<vmem>> -> memref<1x80xi32, #tpu.memory_space<vmem>>
        %dma_wait3A_219 = tpu.memref_squeeze %dma_wait3A_218 : memref<1x80xi32, #tpu.memory_space<vmem>> -> memref<80xi32, #tpu.memory_space<vmem>>
        %dma_wait3A_220 = arith.constant 0 : i32
        %dma_wait3A_221 = arith.constant 0 : i32
        %dma_wait3A_222 = tpu.memref_slice %arg4[%dma_wait3A_220, %dma_wait3A_221] : memref<64000x128xf32, #tpu.memory_space<hbm>> -> memref<64000x128xf32, #tpu.memory_space<hbm>>
        tpu.wait_indirect_dma semaphore(%arg22 : memref<!tpu.dma_semaphore, #tpu.memory_space<semaphore_mem>>) src(%dma_wait3A_222 : memref<64000x128xf32, #tpu.memory_space<hbm>>) dst(%arg12 : memref<80x128xf32, #tpu.memory_space<vmem>>)
        %mul3A_223 = arith.constant 80 : i32
        %mul3A_224 = arith.muli %add3A_131, %mul3A_223 : i32
        %add3A_225 = arith.addi %mul3A_2, %mul3A_224 : i32
        %dma_start3A_226 = arith.constant 0 : i32
        %dma_start3A_227 = tpu.memref_slice %arg5[%add3A_225, %dma_start3A_226] : memref<204800x128xf32, #tpu.memory_space<hbm>> -> memref<80x128xf32, #tpu.memory_space<hbm>>
        %dma_start3A_228 = arith.constant 0 : i32
        %dma_start3A_229 = tpu.memref_slice %arg5[%add3A_225, %dma_start3A_228] : memref<204800x128xf32, #tpu.memory_space<hbm>> -> memref<80x128xf32, #tpu.memory_space<hbm>>
        tpu.enqueue_dma source(%arg12 : memref<80x128xf32, #tpu.memory_space<vmem>>) target(%dma_start3A_229 : memref<80x128xf32, #tpu.memory_space<hbm>>) target_semaphore(%arg32 : memref<!tpu.dma_semaphore, #tpu.memory_space<semaphore_mem>>)
      } else {
      }
      %mul3A_139 = arith.constant 10 : i32
      %mul3A_140 = arith.muli %scan3A_96, %mul3A_139 : i32
      %add3A_141 = arith.constant 4 : i32
      %add3A_142 = arith.addi %mul3A_140, %add3A_141 : i32
      %add3A_143 = arith.constant 6 : i32
      %add3A_144 = arith.addi %add3A_142, %add3A_143 : i32
      %lt3A_145 = arith.constant 80 : i32
      %lt3A_146 = arith.cmpi slt, %add3A_142, %lt3A_145 : i32
      %convert_element_type3A_147 = arith.extui %lt3A_146 : i1 to i32
      %cond3A_148 = arith.constant 0 : i32
      %cond3A_149 = arith.cmpi ne, %convert_element_type3A_147, %cond3A_148 : i32
      scf.if %cond3A_149 {
        %lt3A_206 = arith.constant 80 : i32
        %lt3A_207 = arith.cmpi slt, %add3A_144, %lt3A_206 : i32
        %ge3A = arith.constant 10 : i32
        %ge3A_208 = arith.cmpi sge, %add3A_144, %ge3A : i32
        %and3A = arith.andi %lt3A_207, %ge3A_208 : i1
        %convert_element_type3A_209 = arith.extui %and3A : i1 to i32
        %cond3A_210 = arith.constant 0 : i32
        %cond3A_211 = arith.cmpi ne, %convert_element_type3A_209, %cond3A_210 : i32
        scf.if %cond3A_211 {
          %dma_wait3A_230 = arith.constant 0 : i32
          %dma_wait3A_231 = tpu.memref_slice %arg5[%mul3A_2, %dma_wait3A_230] : memref<204800x128xf32, #tpu.memory_space<hbm>> -> memref<80x128xf32, #tpu.memory_space<hbm>>
          %dma_wait3A_232 = arith.constant 0 : i32
          %dma_wait3A_233 = tpu.memref_slice %arg5[%mul3A_2, %dma_wait3A_232] : memref<204800x128xf32, #tpu.memory_space<hbm>> -> memref<80x128xf32, #tpu.memory_space<hbm>>
          tpu.wait_dma2 semaphore(%arg29 : memref<!tpu.dma_semaphore, #tpu.memory_space<semaphore_mem>>) src(%arg9 : memref<80x128xf32, #tpu.memory_space<vmem>>) dst(%dma_wait3A_233 : memref<80x128xf32, #tpu.memory_space<hbm>>)
        } else {
        }
        %lt3A_212 = arith.constant 80 : i32
        %lt3A_213 = arith.cmpi slt, %add3A_144, %lt3A_212 : i32
        %convert_element_type3A_214 = arith.extui %lt3A_213 : i1 to i32
        %cond3A_215 = arith.constant 0 : i32
        %cond3A_216 = arith.cmpi ne, %convert_element_type3A_214, %cond3A_215 : i32
        scf.if %cond3A_216 {
          %dma_start3A_230 = arith.constant 0 : i32
          %dma_start3A_231 = tpu.memref_slice %arg8[%add3A_144, %dma_start3A_230] : memref<80x80xi32, #tpu.memory_space<vmem>> -> memref<1x80xi32, #tpu.memory_space<vmem>>
          %dma_start3A_232 = tpu.memref_squeeze %dma_start3A_231 : memref<1x80xi32, #tpu.memory_space<vmem>> -> memref<80xi32, #tpu.memory_space<vmem>>
          %dma_start3A_233 = arith.constant 0 : i32
          %dma_start3A_234 = arith.constant 0 : i32
          %dma_start3A_235 = tpu.memref_slice %arg4[%dma_start3A_233, %dma_start3A_234] : memref<64000x128xf32, #tpu.memory_space<hbm>> -> memref<64000x128xf32, #tpu.memory_space<hbm>>
          tpu.enqueue_indirect_dma source(%dma_start3A_235 : memref<64000x128xf32, #tpu.memory_space<hbm>>) target(%arg9 : memref<80x128xf32, #tpu.memory_space<vmem>>) offsets(%dma_start3A_232 : memref<80xi32, #tpu.memory_space<vmem>>) semaphore(%arg19 : memref<!tpu.dma_semaphore, #tpu.memory_space<semaphore_mem>>)
        } else {
        }
        %dma_wait3A_217 = arith.constant 0 : i32
        %dma_wait3A_218 = tpu.memref_slice %arg8[%add3A_142, %dma_wait3A_217] : memref<80x80xi32, #tpu.memory_space<vmem>> -> memref<1x80xi32, #tpu.memory_space<vmem>>
        %dma_wait3A_219 = tpu.memref_squeeze %dma_wait3A_218 : memref<1x80xi32, #tpu.memory_space<vmem>> -> memref<80xi32, #tpu.memory_space<vmem>>
        %dma_wait3A_220 = arith.constant 0 : i32
        %dma_wait3A_221 = arith.constant 0 : i32
        %dma_wait3A_222 = tpu.memref_slice %arg4[%dma_wait3A_220, %dma_wait3A_221] : memref<64000x128xf32, #tpu.memory_space<hbm>> -> memref<64000x128xf32, #tpu.memory_space<hbm>>
        tpu.wait_indirect_dma semaphore(%arg23 : memref<!tpu.dma_semaphore, #tpu.memory_space<semaphore_mem>>) src(%dma_wait3A_222 : memref<64000x128xf32, #tpu.memory_space<hbm>>) dst(%arg13 : memref<80x128xf32, #tpu.memory_space<vmem>>)
        %mul3A_223 = arith.constant 80 : i32
        %mul3A_224 = arith.muli %add3A_142, %mul3A_223 : i32
        %add3A_225 = arith.addi %mul3A_2, %mul3A_224 : i32
        %dma_start3A_226 = arith.constant 0 : i32
        %dma_start3A_227 = tpu.memref_slice %arg5[%add3A_225, %dma_start3A_226] : memref<204800x128xf32, #tpu.memory_space<hbm>> -> memref<80x128xf32, #tpu.memory_space<hbm>>
        %dma_start3A_228 = arith.constant 0 : i32
        %dma_start3A_229 = tpu.memref_slice %arg5[%add3A_225, %dma_start3A_228] : memref<204800x128xf32, #tpu.memory_space<hbm>> -> memref<80x128xf32, #tpu.memory_space<hbm>>
        tpu.enqueue_dma source(%arg13 : memref<80x128xf32, #tpu.memory_space<vmem>>) target(%dma_start3A_229 : memref<80x128xf32, #tpu.memory_space<hbm>>) target_semaphore(%arg33 : memref<!tpu.dma_semaphore, #tpu.memory_space<semaphore_mem>>)
      } else {
      }
      %mul3A_150 = arith.constant 10 : i32
      %mul3A_151 = arith.muli %scan3A_96, %mul3A_150 : i32
      %add3A_152 = arith.constant 5 : i32
      %add3A_153 = arith.addi %mul3A_151, %add3A_152 : i32
      %add3A_154 = arith.constant 6 : i32
      %add3A_155 = arith.addi %add3A_153, %add3A_154 : i32
      %lt3A_156 = arith.constant 80 : i32
      %lt3A_157 = arith.cmpi slt, %add3A_153, %lt3A_156 : i32
      %convert_element_type3A_158 = arith.extui %lt3A_157 : i1 to i32
      %cond3A_159 = arith.constant 0 : i32
      %cond3A_160 = arith.cmpi ne, %convert_element_type3A_158, %cond3A_159 : i32
      scf.if %cond3A_160 {
        %lt3A_206 = arith.constant 80 : i32
        %lt3A_207 = arith.cmpi slt, %add3A_155, %lt3A_206 : i32
        %ge3A = arith.constant 10 : i32
        %ge3A_208 = arith.cmpi sge, %add3A_155, %ge3A : i32
        %and3A = arith.andi %lt3A_207, %ge3A_208 : i1
        %convert_element_type3A_209 = arith.extui %and3A : i1 to i32
        %cond3A_210 = arith.constant 0 : i32
        %cond3A_211 = arith.cmpi ne, %convert_element_type3A_209, %cond3A_210 : i32
        scf.if %cond3A_211 {
          %dma_wait3A_230 = arith.constant 0 : i32
          %dma_wait3A_231 = tpu.memref_slice %arg5[%mul3A_2, %dma_wait3A_230] : memref<204800x128xf32, #tpu.memory_space<hbm>> -> memref<80x128xf32, #tpu.memory_space<hbm>>
          %dma_wait3A_232 = arith.constant 0 : i32
          %dma_wait3A_233 = tpu.memref_slice %arg5[%mul3A_2, %dma_wait3A_232] : memref<204800x128xf32, #tpu.memory_space<hbm>> -> memref<80x128xf32, #tpu.memory_space<hbm>>
          tpu.wait_dma2 semaphore(%arg30 : memref<!tpu.dma_semaphore, #tpu.memory_space<semaphore_mem>>) src(%arg10 : memref<80x128xf32, #tpu.memory_space<vmem>>) dst(%dma_wait3A_233 : memref<80x128xf32, #tpu.memory_space<hbm>>)
        } else {
        }
        %lt3A_212 = arith.constant 80 : i32
        %lt3A_213 = arith.cmpi slt, %add3A_155, %lt3A_212 : i32
        %convert_element_type3A_214 = arith.extui %lt3A_213 : i1 to i32
        %cond3A_215 = arith.constant 0 : i32
        %cond3A_216 = arith.cmpi ne, %convert_element_type3A_214, %cond3A_215 : i32
        scf.if %cond3A_216 {
          %dma_start3A_230 = arith.constant 0 : i32
          %dma_start3A_231 = tpu.memref_slice %arg8[%add3A_155, %dma_start3A_230] : memref<80x80xi32, #tpu.memory_space<vmem>> -> memref<1x80xi32, #tpu.memory_space<vmem>>
          %dma_start3A_232 = tpu.memref_squeeze %dma_start3A_231 : memref<1x80xi32, #tpu.memory_space<vmem>> -> memref<80xi32, #tpu.memory_space<vmem>>
          %dma_start3A_233 = arith.constant 0 : i32
          %dma_start3A_234 = arith.constant 0 : i32
          %dma_start3A_235 = tpu.memref_slice %arg4[%dma_start3A_233, %dma_start3A_234] : memref<64000x128xf32, #tpu.memory_space<hbm>> -> memref<64000x128xf32, #tpu.memory_space<hbm>>
          tpu.enqueue_indirect_dma source(%dma_start3A_235 : memref<64000x128xf32, #tpu.memory_space<hbm>>) target(%arg10 : memref<80x128xf32, #tpu.memory_space<vmem>>) offsets(%dma_start3A_232 : memref<80xi32, #tpu.memory_space<vmem>>) semaphore(%arg20 : memref<!tpu.dma_semaphore, #tpu.memory_space<semaphore_mem>>)
        } else {
        }
        %dma_wait3A_217 = arith.constant 0 : i32
        %dma_wait3A_218 = tpu.memref_slice %arg8[%add3A_153, %dma_wait3A_217] : memref<80x80xi32, #tpu.memory_space<vmem>> -> memref<1x80xi32, #tpu.memory_space<vmem>>
        %dma_wait3A_219 = tpu.memref_squeeze %dma_wait3A_218 : memref<1x80xi32, #tpu.memory_space<vmem>> -> memref<80xi32, #tpu.memory_space<vmem>>
        %dma_wait3A_220 = arith.constant 0 : i32
        %dma_wait3A_221 = arith.constant 0 : i32
        %dma_wait3A_222 = tpu.memref_slice %arg4[%dma_wait3A_220, %dma_wait3A_221] : memref<64000x128xf32, #tpu.memory_space<hbm>> -> memref<64000x128xf32, #tpu.memory_space<hbm>>
        tpu.wait_indirect_dma semaphore(%arg24 : memref<!tpu.dma_semaphore, #tpu.memory_space<semaphore_mem>>) src(%dma_wait3A_222 : memref<64000x128xf32, #tpu.memory_space<hbm>>) dst(%arg14 : memref<80x128xf32, #tpu.memory_space<vmem>>)
        %mul3A_223 = arith.constant 80 : i32
        %mul3A_224 = arith.muli %add3A_153, %mul3A_223 : i32
        %add3A_225 = arith.addi %mul3A_2, %mul3A_224 : i32
        %dma_start3A_226 = arith.constant 0 : i32
        %dma_start3A_227 = tpu.memref_slice %arg5[%add3A_225, %dma_start3A_226] : memref<204800x128xf32, #tpu.memory_space<hbm>> -> memref<80x128xf32, #tpu.memory_space<hbm>>
        %dma_start3A_228 = arith.constant 0 : i32
        %dma_start3A_229 = tpu.memref_slice %arg5[%add3A_225, %dma_start3A_228] : memref<204800x128xf32, #tpu.memory_space<hbm>> -> memref<80x128xf32, #tpu.memory_space<hbm>>
        tpu.enqueue_dma source(%arg14 : memref<80x128xf32, #tpu.memory_space<vmem>>) target(%dma_start3A_229 : memref<80x128xf32, #tpu.memory_space<hbm>>) target_semaphore(%arg34 : memref<!tpu.dma_semaphore, #tpu.memory_space<semaphore_mem>>)
      } else {
      }
      %mul3A_161 = arith.constant 10 : i32
      %mul3A_162 = arith.muli %scan3A_96, %mul3A_161 : i32
      %add3A_163 = arith.constant 6 : i32
      %add3A_164 = arith.addi %mul3A_162, %add3A_163 : i32
      %add3A_165 = arith.constant 6 : i32
      %add3A_166 = arith.addi %add3A_164, %add3A_165 : i32
      %lt3A_167 = arith.constant 80 : i32
      %lt3A_168 = arith.cmpi slt, %add3A_164, %lt3A_167 : i32
      %convert_element_type3A_169 = arith.extui %lt3A_168 : i1 to i32
      %cond3A_170 = arith.constant 0 : i32
      %cond3A_171 = arith.cmpi ne, %convert_element_type3A_169, %cond3A_170 : i32
      scf.if %cond3A_171 {
        %lt3A_206 = arith.constant 80 : i32
        %lt3A_207 = arith.cmpi slt, %add3A_166, %lt3A_206 : i32
        %ge3A = arith.constant 10 : i32
        %ge3A_208 = arith.cmpi sge, %add3A_166, %ge3A : i32
        %and3A = arith.andi %lt3A_207, %ge3A_208 : i1
        %convert_element_type3A_209 = arith.extui %and3A : i1 to i32
        %cond3A_210 = arith.constant 0 : i32
        %cond3A_211 = arith.cmpi ne, %convert_element_type3A_209, %cond3A_210 : i32
        scf.if %cond3A_211 {
          %dma_wait3A_230 = arith.constant 0 : i32
          %dma_wait3A_231 = tpu.memref_slice %arg5[%mul3A_2, %dma_wait3A_230] : memref<204800x128xf32, #tpu.memory_space<hbm>> -> memref<80x128xf32, #tpu.memory_space<hbm>>
          %dma_wait3A_232 = arith.constant 0 : i32
          %dma_wait3A_233 = tpu.memref_slice %arg5[%mul3A_2, %dma_wait3A_232] : memref<204800x128xf32, #tpu.memory_space<hbm>> -> memref<80x128xf32, #tpu.memory_space<hbm>>
          tpu.wait_dma2 semaphore(%arg31 : memref<!tpu.dma_semaphore, #tpu.memory_space<semaphore_mem>>) src(%arg11 : memref<80x128xf32, #tpu.memory_space<vmem>>) dst(%dma_wait3A_233 : memref<80x128xf32, #tpu.memory_space<hbm>>)
        } else {
        }
        %lt3A_212 = arith.constant 80 : i32
        %lt3A_213 = arith.cmpi slt, %add3A_166, %lt3A_212 : i32
        %convert_element_type3A_214 = arith.extui %lt3A_213 : i1 to i32
        %cond3A_215 = arith.constant 0 : i32
        %cond3A_216 = arith.cmpi ne, %convert_element_type3A_214, %cond3A_215 : i32
        scf.if %cond3A_216 {
          %dma_start3A_230 = arith.constant 0 : i32
          %dma_start3A_231 = tpu.memref_slice %arg8[%add3A_166, %dma_start3A_230] : memref<80x80xi32, #tpu.memory_space<vmem>> -> memref<1x80xi32, #tpu.memory_space<vmem>>
          %dma_start3A_232 = tpu.memref_squeeze %dma_start3A_231 : memref<1x80xi32, #tpu.memory_space<vmem>> -> memref<80xi32, #tpu.memory_space<vmem>>
          %dma_start3A_233 = arith.constant 0 : i32
          %dma_start3A_234 = arith.constant 0 : i32
          %dma_start3A_235 = tpu.memref_slice %arg4[%dma_start3A_233, %dma_start3A_234] : memref<64000x128xf32, #tpu.memory_space<hbm>> -> memref<64000x128xf32, #tpu.memory_space<hbm>>
          tpu.enqueue_indirect_dma source(%dma_start3A_235 : memref<64000x128xf32, #tpu.memory_space<hbm>>) target(%arg11 : memref<80x128xf32, #tpu.memory_space<vmem>>) offsets(%dma_start3A_232 : memref<80xi32, #tpu.memory_space<vmem>>) semaphore(%arg21 : memref<!tpu.dma_semaphore, #tpu.memory_space<semaphore_mem>>)
        } else {
        }
        %dma_wait3A_217 = arith.constant 0 : i32
        %dma_wait3A_218 = tpu.memref_slice %arg8[%add3A_164, %dma_wait3A_217] : memref<80x80xi32, #tpu.memory_space<vmem>> -> memref<1x80xi32, #tpu.memory_space<vmem>>
        %dma_wait3A_219 = tpu.memref_squeeze %dma_wait3A_218 : memref<1x80xi32, #tpu.memory_space<vmem>> -> memref<80xi32, #tpu.memory_space<vmem>>
        %dma_wait3A_220 = arith.constant 0 : i32
        %dma_wait3A_221 = arith.constant 0 : i32
        %dma_wait3A_222 = tpu.memref_slice %arg4[%dma_wait3A_220, %dma_wait3A_221] : memref<64000x128xf32, #tpu.memory_space<hbm>> -> memref<64000x128xf32, #tpu.memory_space<hbm>>
        tpu.wait_indirect_dma semaphore(%arg25 : memref<!tpu.dma_semaphore, #tpu.memory_space<semaphore_mem>>) src(%dma_wait3A_222 : memref<64000x128xf32, #tpu.memory_space<hbm>>) dst(%arg15 : memref<80x128xf32, #tpu.memory_space<vmem>>)
        %mul3A_223 = arith.constant 80 : i32
        %mul3A_224 = arith.muli %add3A_164, %mul3A_223 : i32
        %add3A_225 = arith.addi %mul3A_2, %mul3A_224 : i32
        %dma_start3A_226 = arith.constant 0 : i32
        %dma_start3A_227 = tpu.memref_slice %arg5[%add3A_225, %dma_start3A_226] : memref<204800x128xf32, #tpu.memory_space<hbm>> -> memref<80x128xf32, #tpu.memory_space<hbm>>
        %dma_start3A_228 = arith.constant 0 : i32
        %dma_start3A_229 = tpu.memref_slice %arg5[%add3A_225, %dma_start3A_228] : memref<204800x128xf32, #tpu.memory_space<hbm>> -> memref<80x128xf32, #tpu.memory_space<hbm>>
        tpu.enqueue_dma source(%arg15 : memref<80x128xf32, #tpu.memory_space<vmem>>) target(%dma_start3A_229 : memref<80x128xf32, #tpu.memory_space<hbm>>) target_semaphore(%arg35 : memref<!tpu.dma_semaphore, #tpu.memory_space<semaphore_mem>>)
      } else {
      }
      %mul3A_172 = arith.constant 10 : i32
      %mul3A_173 = arith.muli %scan3A_96, %mul3A_172 : i32
      %add3A_174 = arith.constant 7 : i32
      %add3A_175 = arith.addi %mul3A_173, %add3A_174 : i32
      %add3A_176 = arith.constant 6 : i32
      %add3A_177 = arith.addi %add3A_175, %add3A_176 : i32
      %lt3A_178 = arith.constant 80 : i32
      %lt3A_179 = arith.cmpi slt, %add3A_175, %lt3A_178 : i32
      %convert_element_type3A_180 = arith.extui %lt3A_179 : i1 to i32
      %cond3A_181 = arith.constant 0 : i32
      %cond3A_182 = arith.cmpi ne, %convert_element_type3A_180, %cond3A_181 : i32
      scf.if %cond3A_182 {
        %lt3A_206 = arith.constant 80 : i32
        %lt3A_207 = arith.cmpi slt, %add3A_177, %lt3A_206 : i32
        %ge3A = arith.constant 10 : i32
        %ge3A_208 = arith.cmpi sge, %add3A_177, %ge3A : i32
        %and3A = arith.andi %lt3A_207, %ge3A_208 : i1
        %convert_element_type3A_209 = arith.extui %and3A : i1 to i32
        %cond3A_210 = arith.constant 0 : i32
        %cond3A_211 = arith.cmpi ne, %convert_element_type3A_209, %cond3A_210 : i32
        scf.if %cond3A_211 {
          %dma_wait3A_230 = arith.constant 0 : i32
          %dma_wait3A_231 = tpu.memref_slice %arg5[%mul3A_2, %dma_wait3A_230] : memref<204800x128xf32, #tpu.memory_space<hbm>> -> memref<80x128xf32, #tpu.memory_space<hbm>>
          %dma_wait3A_232 = arith.constant 0 : i32
          %dma_wait3A_233 = tpu.memref_slice %arg5[%mul3A_2, %dma_wait3A_232] : memref<204800x128xf32, #tpu.memory_space<hbm>> -> memref<80x128xf32, #tpu.memory_space<hbm>>
          tpu.wait_dma2 semaphore(%arg32 : memref<!tpu.dma_semaphore, #tpu.memory_space<semaphore_mem>>) src(%arg12 : memref<80x128xf32, #tpu.memory_space<vmem>>) dst(%dma_wait3A_233 : memref<80x128xf32, #tpu.memory_space<hbm>>)
        } else {
        }
        %lt3A_212 = arith.constant 80 : i32
        %lt3A_213 = arith.cmpi slt, %add3A_177, %lt3A_212 : i32
        %convert_element_type3A_214 = arith.extui %lt3A_213 : i1 to i32
        %cond3A_215 = arith.constant 0 : i32
        %cond3A_216 = arith.cmpi ne, %convert_element_type3A_214, %cond3A_215 : i32
        scf.if %cond3A_216 {
          %dma_start3A_230 = arith.constant 0 : i32
          %dma_start3A_231 = tpu.memref_slice %arg8[%add3A_177, %dma_start3A_230] : memref<80x80xi32, #tpu.memory_space<vmem>> -> memref<1x80xi32, #tpu.memory_space<vmem>>
          %dma_start3A_232 = tpu.memref_squeeze %dma_start3A_231 : memref<1x80xi32, #tpu.memory_space<vmem>> -> memref<80xi32, #tpu.memory_space<vmem>>
          %dma_start3A_233 = arith.constant 0 : i32
          %dma_start3A_234 = arith.constant 0 : i32
          %dma_start3A_235 = tpu.memref_slice %arg4[%dma_start3A_233, %dma_start3A_234] : memref<64000x128xf32, #tpu.memory_space<hbm>> -> memref<64000x128xf32, #tpu.memory_space<hbm>>
          tpu.enqueue_indirect_dma source(%dma_start3A_235 : memref<64000x128xf32, #tpu.memory_space<hbm>>) target(%arg12 : memref<80x128xf32, #tpu.memory_space<vmem>>) offsets(%dma_start3A_232 : memref<80xi32, #tpu.memory_space<vmem>>) semaphore(%arg22 : memref<!tpu.dma_semaphore, #tpu.memory_space<semaphore_mem>>)
        } else {
        }
        %dma_wait3A_217 = arith.constant 0 : i32
        %dma_wait3A_218 = tpu.memref_slice %arg8[%add3A_175, %dma_wait3A_217] : memref<80x80xi32, #tpu.memory_space<vmem>> -> memref<1x80xi32, #tpu.memory_space<vmem>>
        %dma_wait3A_219 = tpu.memref_squeeze %dma_wait3A_218 : memref<1x80xi32, #tpu.memory_space<vmem>> -> memref<80xi32, #tpu.memory_space<vmem>>
        %dma_wait3A_220 = arith.constant 0 : i32
        %dma_wait3A_221 = arith.constant 0 : i32
        %dma_wait3A_222 = tpu.memref_slice %arg4[%dma_wait3A_220, %dma_wait3A_221] : memref<64000x128xf32, #tpu.memory_space<hbm>> -> memref<64000x128xf32, #tpu.memory_space<hbm>>
        tpu.wait_indirect_dma semaphore(%arg26 : memref<!tpu.dma_semaphore, #tpu.memory_space<semaphore_mem>>) src(%dma_wait3A_222 : memref<64000x128xf32, #tpu.memory_space<hbm>>) dst(%arg16 : memref<80x128xf32, #tpu.memory_space<vmem>>)
        %mul3A_223 = arith.constant 80 : i32
        %mul3A_224 = arith.muli %add3A_175, %mul3A_223 : i32
        %add3A_225 = arith.addi %mul3A_2, %mul3A_224 : i32
        %dma_start3A_226 = arith.constant 0 : i32
        %dma_start3A_227 = tpu.memref_slice %arg5[%add3A_225, %dma_start3A_226] : memref<204800x128xf32, #tpu.memory_space<hbm>> -> memref<80x128xf32, #tpu.memory_space<hbm>>
        %dma_start3A_228 = arith.constant 0 : i32
        %dma_start3A_229 = tpu.memref_slice %arg5[%add3A_225, %dma_start3A_228] : memref<204800x128xf32, #tpu.memory_space<hbm>> -> memref<80x128xf32, #tpu.memory_space<hbm>>
        tpu.enqueue_dma source(%arg16 : memref<80x128xf32, #tpu.memory_space<vmem>>) target(%dma_start3A_229 : memref<80x128xf32, #tpu.memory_space<hbm>>) target_semaphore(%arg36 : memref<!tpu.dma_semaphore, #tpu.memory_space<semaphore_mem>>)
      } else {
      }
      %mul3A_183 = arith.constant 10 : i32
      %mul3A_184 = arith.muli %scan3A_96, %mul3A_183 : i32
      %add3A_185 = arith.constant 8 : i32
      %add3A_186 = arith.addi %mul3A_184, %add3A_185 : i32
      %add3A_187 = arith.constant 6 : i32
      %add3A_188 = arith.addi %add3A_186, %add3A_187 : i32
      %lt3A_189 = arith.constant 80 : i32
      %lt3A_190 = arith.cmpi slt, %add3A_186, %lt3A_189 : i32
      %convert_element_type3A_191 = arith.extui %lt3A_190 : i1 to i32
      %cond3A_192 = arith.constant 0 : i32
      %cond3A_193 = arith.cmpi ne, %convert_element_type3A_191, %cond3A_192 : i32
      scf.if %cond3A_193 {
        %lt3A_206 = arith.constant 80 : i32
        %lt3A_207 = arith.cmpi slt, %add3A_188, %lt3A_206 : i32
        %ge3A = arith.constant 10 : i32
        %ge3A_208 = arith.cmpi sge, %add3A_188, %ge3A : i32
        %and3A = arith.andi %lt3A_207, %ge3A_208 : i1
        %convert_element_type3A_209 = arith.extui %and3A : i1 to i32
        %cond3A_210 = arith.constant 0 : i32
        %cond3A_211 = arith.cmpi ne, %convert_element_type3A_209, %cond3A_210 : i32
        scf.if %cond3A_211 {
          %dma_wait3A_230 = arith.constant 0 : i32
          %dma_wait3A_231 = tpu.memref_slice %arg5[%mul3A_2, %dma_wait3A_230] : memref<204800x128xf32, #tpu.memory_space<hbm>> -> memref<80x128xf32, #tpu.memory_space<hbm>>
          %dma_wait3A_232 = arith.constant 0 : i32
          %dma_wait3A_233 = tpu.memref_slice %arg5[%mul3A_2, %dma_wait3A_232] : memref<204800x128xf32, #tpu.memory_space<hbm>> -> memref<80x128xf32, #tpu.memory_space<hbm>>
          tpu.wait_dma2 semaphore(%arg33 : memref<!tpu.dma_semaphore, #tpu.memory_space<semaphore_mem>>) src(%arg13 : memref<80x128xf32, #tpu.memory_space<vmem>>) dst(%dma_wait3A_233 : memref<80x128xf32, #tpu.memory_space<hbm>>)
        } else {
        }
        %lt3A_212 = arith.constant 80 : i32
        %lt3A_213 = arith.cmpi slt, %add3A_188, %lt3A_212 : i32
        %convert_element_type3A_214 = arith.extui %lt3A_213 : i1 to i32
        %cond3A_215 = arith.constant 0 : i32
        %cond3A_216 = arith.cmpi ne, %convert_element_type3A_214, %cond3A_215 : i32
        scf.if %cond3A_216 {
          %dma_start3A_230 = arith.constant 0 : i32
          %dma_start3A_231 = tpu.memref_slice %arg8[%add3A_188, %dma_start3A_230] : memref<80x80xi32, #tpu.memory_space<vmem>> -> memref<1x80xi32, #tpu.memory_space<vmem>>
          %dma_start3A_232 = tpu.memref_squeeze %dma_start3A_231 : memref<1x80xi32, #tpu.memory_space<vmem>> -> memref<80xi32, #tpu.memory_space<vmem>>
          %dma_start3A_233 = arith.constant 0 : i32
          %dma_start3A_234 = arith.constant 0 : i32
          %dma_start3A_235 = tpu.memref_slice %arg4[%dma_start3A_233, %dma_start3A_234] : memref<64000x128xf32, #tpu.memory_space<hbm>> -> memref<64000x128xf32, #tpu.memory_space<hbm>>
          tpu.enqueue_indirect_dma source(%dma_start3A_235 : memref<64000x128xf32, #tpu.memory_space<hbm>>) target(%arg13 : memref<80x128xf32, #tpu.memory_space<vmem>>) offsets(%dma_start3A_232 : memref<80xi32, #tpu.memory_space<vmem>>) semaphore(%arg23 : memref<!tpu.dma_semaphore, #tpu.memory_space<semaphore_mem>>)
        } else {
        }
        %dma_wait3A_217 = arith.constant 0 : i32
        %dma_wait3A_218 = tpu.memref_slice %arg8[%add3A_186, %dma_wait3A_217] : memref<80x80xi32, #tpu.memory_space<vmem>> -> memref<1x80xi32, #tpu.memory_space<vmem>>
        %dma_wait3A_219 = tpu.memref_squeeze %dma_wait3A_218 : memref<1x80xi32, #tpu.memory_space<vmem>> -> memref<80xi32, #tpu.memory_space<vmem>>
        %dma_wait3A_220 = arith.constant 0 : i32
        %dma_wait3A_221 = arith.constant 0 : i32
        %dma_wait3A_222 = tpu.memref_slice %arg4[%dma_wait3A_220, %dma_wait3A_221] : memref<64000x128xf32, #tpu.memory_space<hbm>> -> memref<64000x128xf32, #tpu.memory_space<hbm>>
        tpu.wait_indirect_dma semaphore(%arg27 : memref<!tpu.dma_semaphore, #tpu.memory_space<semaphore_mem>>) src(%dma_wait3A_222 : memref<64000x128xf32, #tpu.memory_space<hbm>>) dst(%arg17 : memref<80x128xf32, #tpu.memory_space<vmem>>)
        %mul3A_223 = arith.constant 80 : i32
        %mul3A_224 = arith.muli %add3A_186, %mul3A_223 : i32
        %add3A_225 = arith.addi %mul3A_2, %mul3A_224 : i32
        %dma_start3A_226 = arith.constant 0 : i32
        %dma_start3A_227 = tpu.memref_slice %arg5[%add3A_225, %dma_start3A_226] : memref<204800x128xf32, #tpu.memory_space<hbm>> -> memref<80x128xf32, #tpu.memory_space<hbm>>
        %dma_start3A_228 = arith.constant 0 : i32
        %dma_start3A_229 = tpu.memref_slice %arg5[%add3A_225, %dma_start3A_228] : memref<204800x128xf32, #tpu.memory_space<hbm>> -> memref<80x128xf32, #tpu.memory_space<hbm>>
        tpu.enqueue_dma source(%arg17 : memref<80x128xf32, #tpu.memory_space<vmem>>) target(%dma_start3A_229 : memref<80x128xf32, #tpu.memory_space<hbm>>) target_semaphore(%arg37 : memref<!tpu.dma_semaphore, #tpu.memory_space<semaphore_mem>>)
      } else {
      }
      %mul3A_194 = arith.constant 10 : i32
      %mul3A_195 = arith.muli %scan3A_96, %mul3A_194 : i32
      %add3A_196 = arith.constant 9 : i32
      %add3A_197 = arith.addi %mul3A_195, %add3A_196 : i32
      %add3A_198 = arith.constant 6 : i32
      %add3A_199 = arith.addi %add3A_197, %add3A_198 : i32
      %lt3A_200 = arith.constant 80 : i32
      %lt3A_201 = arith.cmpi slt, %add3A_197, %lt3A_200 : i32
      %convert_element_type3A_202 = arith.extui %lt3A_201 : i1 to i32
      %cond3A_203 = arith.constant 0 : i32
      %cond3A_204 = arith.cmpi ne, %convert_element_type3A_202, %cond3A_203 : i32
      scf.if %cond3A_204 {
        %lt3A_206 = arith.constant 80 : i32
        %lt3A_207 = arith.cmpi slt, %add3A_199, %lt3A_206 : i32
        %ge3A = arith.constant 10 : i32
        %ge3A_208 = arith.cmpi sge, %add3A_199, %ge3A : i32
        %and3A = arith.andi %lt3A_207, %ge3A_208 : i1
        %convert_element_type3A_209 = arith.extui %and3A : i1 to i32
        %cond3A_210 = arith.constant 0 : i32
        %cond3A_211 = arith.cmpi ne, %convert_element_type3A_209, %cond3A_210 : i32
        scf.if %cond3A_211 {
          %dma_wait3A_230 = arith.constant 0 : i32
          %dma_wait3A_231 = tpu.memref_slice %arg5[%mul3A_2, %dma_wait3A_230] : memref<204800x128xf32, #tpu.memory_space<hbm>> -> memref<80x128xf32, #tpu.memory_space<hbm>>
          %dma_wait3A_232 = arith.constant 0 : i32
          %dma_wait3A_233 = tpu.memref_slice %arg5[%mul3A_2, %dma_wait3A_232] : memref<204800x128xf32, #tpu.memory_space<hbm>> -> memref<80x128xf32, #tpu.memory_space<hbm>>
          tpu.wait_dma2 semaphore(%arg34 : memref<!tpu.dma_semaphore, #tpu.memory_space<semaphore_mem>>) src(%arg14 : memref<80x128xf32, #tpu.memory_space<vmem>>) dst(%dma_wait3A_233 : memref<80x128xf32, #tpu.memory_space<hbm>>)
        } else {
        }
        %lt3A_212 = arith.constant 80 : i32
        %lt3A_213 = arith.cmpi slt, %add3A_199, %lt3A_212 : i32
        %convert_element_type3A_214 = arith.extui %lt3A_213 : i1 to i32
        %cond3A_215 = arith.constant 0 : i32
        %cond3A_216 = arith.cmpi ne, %convert_element_type3A_214, %cond3A_215 : i32
        scf.if %cond3A_216 {
          %dma_start3A_230 = arith.constant 0 : i32
          %dma_start3A_231 = tpu.memref_slice %arg8[%add3A_199, %dma_start3A_230] : memref<80x80xi32, #tpu.memory_space<vmem>> -> memref<1x80xi32, #tpu.memory_space<vmem>>
          %dma_start3A_232 = tpu.memref_squeeze %dma_start3A_231 : memref<1x80xi32, #tpu.memory_space<vmem>> -> memref<80xi32, #tpu.memory_space<vmem>>
          %dma_start3A_233 = arith.constant 0 : i32
          %dma_start3A_234 = arith.constant 0 : i32
          %dma_start3A_235 = tpu.memref_slice %arg4[%dma_start3A_233, %dma_start3A_234] : memref<64000x128xf32, #tpu.memory_space<hbm>> -> memref<64000x128xf32, #tpu.memory_space<hbm>>
          tpu.enqueue_indirect_dma source(%dma_start3A_235 : memref<64000x128xf32, #tpu.memory_space<hbm>>) target(%arg14 : memref<80x128xf32, #tpu.memory_space<vmem>>) offsets(%dma_start3A_232 : memref<80xi32, #tpu.memory_space<vmem>>) semaphore(%arg24 : memref<!tpu.dma_semaphore, #tpu.memory_space<semaphore_mem>>)
        } else {
        }
        %dma_wait3A_217 = arith.constant 0 : i32
        %dma_wait3A_218 = tpu.memref_slice %arg8[%add3A_197, %dma_wait3A_217] : memref<80x80xi32, #tpu.memory_space<vmem>> -> memref<1x80xi32, #tpu.memory_space<vmem>>
        %dma_wait3A_219 = tpu.memref_squeeze %dma_wait3A_218 : memref<1x80xi32, #tpu.memory_space<vmem>> -> memref<80xi32, #tpu.memory_space<vmem>>
        %dma_wait3A_220 = arith.constant 0 : i32
        %dma_wait3A_221 = arith.constant 0 : i32
        %dma_wait3A_222 = tpu.memref_slice %arg4[%dma_wait3A_220, %dma_wait3A_221] : memref<64000x128xf32, #tpu.memory_space<hbm>> -> memref<64000x128xf32, #tpu.memory_space<hbm>>
        tpu.wait_indirect_dma semaphore(%arg28 : memref<!tpu.dma_semaphore, #tpu.memory_space<semaphore_mem>>) src(%dma_wait3A_222 : memref<64000x128xf32, #tpu.memory_space<hbm>>) dst(%arg18 : memref<80x128xf32, #tpu.memory_space<vmem>>)
        %mul3A_223 = arith.constant 80 : i32
        %mul3A_224 = arith.muli %add3A_197, %mul3A_223 : i32
        %add3A_225 = arith.addi %mul3A_2, %mul3A_224 : i32
        %dma_start3A_226 = arith.constant 0 : i32
        %dma_start3A_227 = tpu.memref_slice %arg5[%add3A_225, %dma_start3A_226] : memref<204800x128xf32, #tpu.memory_space<hbm>> -> memref<80x128xf32, #tpu.memory_space<hbm>>
        %dma_start3A_228 = arith.constant 0 : i32
        %dma_start3A_229 = tpu.memref_slice %arg5[%add3A_225, %dma_start3A_228] : memref<204800x128xf32, #tpu.memory_space<hbm>> -> memref<80x128xf32, #tpu.memory_space<hbm>>
        tpu.enqueue_dma source(%arg18 : memref<80x128xf32, #tpu.memory_space<vmem>>) target(%dma_start3A_229 : memref<80x128xf32, #tpu.memory_space<hbm>>) target_semaphore(%arg38 : memref<!tpu.dma_semaphore, #tpu.memory_space<semaphore_mem>>)
      } else {
      }
      %scan3A_205 = arith.constant 0 : i32
      scf.yield %scan3A_205 : i32
    }
    %scan3A_56 = arith.constant 8 : i32
    %dma_wait3A = arith.constant 0 : i32
    %dma_wait3A_57 = tpu.memref_slice %arg5[%mul3A_2, %dma_wait3A] : memref<204800x128xf32, #tpu.memory_space<hbm>> -> memref<80x128xf32, #tpu.memory_space<hbm>>
    %dma_wait3A_58 = arith.constant 0 : i32
    %dma_wait3A_59 = tpu.memref_slice %arg5[%mul3A_2, %dma_wait3A_58] : memref<204800x128xf32, #tpu.memory_space<hbm>> -> memref<80x128xf32, #tpu.memory_space<hbm>>
    tpu.wait_dma2 semaphore(%arg29 : memref<!tpu.dma_semaphore, #tpu.memory_space<semaphore_mem>>) src(%arg9 : memref<80x128xf32, #tpu.memory_space<vmem>>) dst(%dma_wait3A_59 : memref<80x128xf32, #tpu.memory_space<hbm>>)
    %dma_wait3A_60 = arith.constant 0 : i32
    %dma_wait3A_61 = tpu.memref_slice %arg5[%mul3A_2, %dma_wait3A_60] : memref<204800x128xf32, #tpu.memory_space<hbm>> -> memref<80x128xf32, #tpu.memory_space<hbm>>
    %dma_wait3A_62 = arith.constant 0 : i32
    %dma_wait3A_63 = tpu.memref_slice %arg5[%mul3A_2, %dma_wait3A_62] : memref<204800x128xf32, #tpu.memory_space<hbm>> -> memref<80x128xf32, #tpu.memory_space<hbm>>
    tpu.wait_dma2 semaphore(%arg30 : memref<!tpu.dma_semaphore, #tpu.memory_space<semaphore_mem>>) src(%arg10 : memref<80x128xf32, #tpu.memory_space<vmem>>) dst(%dma_wait3A_63 : memref<80x128xf32, #tpu.memory_space<hbm>>)
    %dma_wait3A_64 = arith.constant 0 : i32
    %dma_wait3A_65 = tpu.memref_slice %arg5[%mul3A_2, %dma_wait3A_64] : memref<204800x128xf32, #tpu.memory_space<hbm>> -> memref<80x128xf32, #tpu.memory_space<hbm>>
    %dma_wait3A_66 = arith.constant 0 : i32
    %dma_wait3A_67 = tpu.memref_slice %arg5[%mul3A_2, %dma_wait3A_66] : memref<204800x128xf32, #tpu.memory_space<hbm>> -> memref<80x128xf32, #tpu.memory_space<hbm>>
    tpu.wait_dma2 semaphore(%arg31 : memref<!tpu.dma_semaphore, #tpu.memory_space<semaphore_mem>>) src(%arg11 : memref<80x128xf32, #tpu.memory_space<vmem>>) dst(%dma_wait3A_67 : memref<80x128xf32, #tpu.memory_space<hbm>>)
    %dma_wait3A_68 = arith.constant 0 : i32
    %dma_wait3A_69 = tpu.memref_slice %arg5[%mul3A_2, %dma_wait3A_68] : memref<204800x128xf32, #tpu.memory_space<hbm>> -> memref<80x128xf32, #tpu.memory_space<hbm>>
    %dma_wait3A_70 = arith.constant 0 : i32
    %dma_wait3A_71 = tpu.memref_slice %arg5[%mul3A_2, %dma_wait3A_70] : memref<204800x128xf32, #tpu.memory_space<hbm>> -> memref<80x128xf32, #tpu.memory_space<hbm>>
    tpu.wait_dma2 semaphore(%arg32 : memref<!tpu.dma_semaphore, #tpu.memory_space<semaphore_mem>>) src(%arg12 : memref<80x128xf32, #tpu.memory_space<vmem>>) dst(%dma_wait3A_71 : memref<80x128xf32, #tpu.memory_space<hbm>>)
    %dma_wait3A_72 = arith.constant 0 : i32
    %dma_wait3A_73 = tpu.memref_slice %arg5[%mul3A_2, %dma_wait3A_72] : memref<204800x128xf32, #tpu.memory_space<hbm>> -> memref<80x128xf32, #tpu.memory_space<hbm>>
    %dma_wait3A_74 = arith.constant 0 : i32
    %dma_wait3A_75 = tpu.memref_slice %arg5[%mul3A_2, %dma_wait3A_74] : memref<204800x128xf32, #tpu.memory_space<hbm>> -> memref<80x128xf32, #tpu.memory_space<hbm>>
    tpu.wait_dma2 semaphore(%arg33 : memref<!tpu.dma_semaphore, #tpu.memory_space<semaphore_mem>>) src(%arg13 : memref<80x128xf32, #tpu.memory_space<vmem>>) dst(%dma_wait3A_75 : memref<80x128xf32, #tpu.memory_space<hbm>>)
    %dma_wait3A_76 = arith.constant 0 : i32
    %dma_wait3A_77 = tpu.memref_slice %arg5[%mul3A_2, %dma_wait3A_76] : memref<204800x128xf32, #tpu.memory_space<hbm>> -> memref<80x128xf32, #tpu.memory_space<hbm>>
    %dma_wait3A_78 = arith.constant 0 : i32
    %dma_wait3A_79 = tpu.memref_slice %arg5[%mul3A_2, %dma_wait3A_78] : memref<204800x128xf32, #tpu.memory_space<hbm>> -> memref<80x128xf32, #tpu.memory_space<hbm>>
    tpu.wait_dma2 semaphore(%arg34 : memref<!tpu.dma_semaphore, #tpu.memory_space<semaphore_mem>>) src(%arg14 : memref<80x128xf32, #tpu.memory_space<vmem>>) dst(%dma_wait3A_79 : memref<80x128xf32, #tpu.memory_space<hbm>>)
    %dma_wait3A_80 = arith.constant 0 : i32
    %dma_wait3A_81 = tpu.memref_slice %arg5[%mul3A_2, %dma_wait3A_80] : memref<204800x128xf32, #tpu.memory_space<hbm>> -> memref<80x128xf32, #tpu.memory_space<hbm>>
    %dma_wait3A_82 = arith.constant 0 : i32
    %dma_wait3A_83 = tpu.memref_slice %arg5[%mul3A_2, %dma_wait3A_82] : memref<204800x128xf32, #tpu.memory_space<hbm>> -> memref<80x128xf32, #tpu.memory_space<hbm>>
    tpu.wait_dma2 semaphore(%arg35 : memref<!tpu.dma_semaphore, #tpu.memory_space<semaphore_mem>>) src(%arg15 : memref<80x128xf32, #tpu.memory_space<vmem>>) dst(%dma_wait3A_83 : memref<80x128xf32, #tpu.memory_space<hbm>>)
    %dma_wait3A_84 = arith.constant 0 : i32
    %dma_wait3A_85 = tpu.memref_slice %arg5[%mul3A_2, %dma_wait3A_84] : memref<204800x128xf32, #tpu.memory_space<hbm>> -> memref<80x128xf32, #tpu.memory_space<hbm>>
    %dma_wait3A_86 = arith.constant 0 : i32
    %dma_wait3A_87 = tpu.memref_slice %arg5[%mul3A_2, %dma_wait3A_86] : memref<204800x128xf32, #tpu.memory_space<hbm>> -> memref<80x128xf32, #tpu.memory_space<hbm>>
    tpu.wait_dma2 semaphore(%arg36 : memref<!tpu.dma_semaphore, #tpu.memory_space<semaphore_mem>>) src(%arg16 : memref<80x128xf32, #tpu.memory_space<vmem>>) dst(%dma_wait3A_87 : memref<80x128xf32, #tpu.memory_space<hbm>>)
    %dma_wait3A_88 = arith.constant 0 : i32
    %dma_wait3A_89 = tpu.memref_slice %arg5[%mul3A_2, %dma_wait3A_88] : memref<204800x128xf32, #tpu.memory_space<hbm>> -> memref<80x128xf32, #tpu.memory_space<hbm>>
    %dma_wait3A_90 = arith.constant 0 : i32
    %dma_wait3A_91 = tpu.memref_slice %arg5[%mul3A_2, %dma_wait3A_90] : memref<204800x128xf32, #tpu.memory_space<hbm>> -> memref<80x128xf32, #tpu.memory_space<hbm>>
    tpu.wait_dma2 semaphore(%arg37 : memref<!tpu.dma_semaphore, #tpu.memory_space<semaphore_mem>>) src(%arg17 : memref<80x128xf32, #tpu.memory_space<vmem>>) dst(%dma_wait3A_91 : memref<80x128xf32, #tpu.memory_space<hbm>>)
    %dma_wait3A_92 = arith.constant 0 : i32
    %dma_wait3A_93 = tpu.memref_slice %arg5[%mul3A_2, %dma_wait3A_92] : memref<204800x128xf32, #tpu.memory_space<hbm>> -> memref<80x128xf32, #tpu.memory_space<hbm>>
    %dma_wait3A_94 = arith.constant 0 : i32
    %dma_wait3A_95 = tpu.memref_slice %arg5[%mul3A_2, %dma_wait3A_94] : memref<204800x128xf32, #tpu.memory_space<hbm>> -> memref<80x128xf32, #tpu.memory_space<hbm>>
    tpu.wait_dma2 semaphore(%arg38 : memref<!tpu.dma_semaphore, #tpu.memory_space<semaphore_mem>>) src(%arg18 : memref<80x128xf32, #tpu.memory_space<vmem>>) dst(%dma_wait3A_95 : memref<80x128xf32, #tpu.memory_space<hbm>>)
    return
  }
}

</mosaic_0001>

<sc_bundles>
// kernel: _lookup.3.cloned.1.call-start
scs
__scs_entry_jumppad:
0x0: {  	(pc) =	sbr.rel $0x88, $3  }
0x1: {  	(tag) =	ssettag $0x0;
	lr =	simm.s32 $0x1  }
0x2: {  	[smem:$0x3F9E] =	sst lr;
	_ =	strace $0xD0000000  }
0x3: {  	_ = 	snop  }
0x4: {  	_ = 	snop  }
0x5: {  	_ = 	snop  }
0x6: {  	_ = 	snop  }
0x7: {  	_ = 	snop  }
__scs_overlays_trampoline_lowered:
0x8: {  	[smem:$0x3FAD] =	sst s0  }
0x9: {  	[smem:$0x3FAE] =	sst s1  }
0xa: {  	[smem:$0x3FAF] =	sst s2  }
0xb: {  	[smem:$0x3FB0] =	sst s3  }
0xc: {  	[smem:$0x3FB1] =	sst s4  }
0xd: {  	[smem:$0x3FB2] =	sst s5  }
0xe: {  	[smem:$0x3FB3] =	sst s6  }
0xf: {  	[smem:$0x3FB4] =	sst s7  }
0x10: {  	[smem:$0x3FB5] =	sst s8  }
0x11: {  	[smem:$0x3FB6] =	sst s9;
	s0 =	simm.s32 @!p0 $0x0  }
0x12: {  	s1 =	sld [smem:$0x3F9C];
	s0 =	simm.s32 @p0 $0x1  }
0x13: {  	[smem:$0x3FB7] =	sst s0;
	s0 =	simm.s32 @!p1 $0x0  }
0x14: {  	s2 =	sld [smem:$0x3F9B];
	s0 =	simm.s32 @p1 $0x1  }
0x15: {  	[smem:$0x3FB8] =	sst s0;
	s0 =	simm.s32 @!p2 $0x0  }
0x16: {  	s3 =	sld [smem:$0x3FDB];
	s0 =	simm.s32 @p2 $0x1  }
0x17: {  	s4 =	simm.s32 $0x1BF5;
	[smem:$0x3FBA] =	sst s0  }
0x18: {  	s0 =	sld [smem:$0x3F9D];
	_ =	swait.ge [sflag:s4], $0x0  }
0x19: {  	s7 =	sld [smem:$0x3F9E]  }
0x1a: {  	s8 =	sadd.s32 $0xFFFFE003, lr  }
0x1b: {  	s9 =	sadd.s32 $0xFFFFFEF7, lr;
	s5 =	simm.s32 $0xFFFFFFFF;
	p2 =	slt.u32 s8, $0xFFFFF086  }
0x1c: {  	p1 =	slt.u32 s9, $0xF7A;
	s5 =	simm.s32 @!p2 $0x0  }
0x1d: {  	s5 =	simm.s32 @p1 $0x1;
	p0 =	seq.s32 s7, s2  }
0x1e: {  	s7 =	smul.u32 @!p0 $0xF7A, s2;
	p2 =	seq.s32 @!p0 s5, $0x0  }
0x1f: {  	s9 =	smul.u32 $0xF7A, s1;
	s8 =	simm.s32 @!p0 $0x1BF5;
	p2 =	por !p2, p0  }
0x20: {  	[sflag:s8] =	ssyncset.s32 @!p0 $0xFFFFF086;
	s6 =	sadd.s32 @!p0 s3, s7;
	s7 =	simm.s32 @!p0 $0x108  }
0x21: {  	s3 =	sadd.s32 s3, s9;
	s6 =	sadd.s32 @!p0 $0x88, s6;
	s7 =	simm.s32 @p2 $0x1082  }
0x22: {  	[simem:s7], [sflag:s8] =	dma.local @!p0 [hbm:s6], $0xF7A  }
0x23: {  	s9 =	sor.u32 $0xD0000000, s2;
	s6 =	simm.s32 $0x108;
	_ =	swait.ge @!p0 [sflag:s8], $0x0  }
0x24: {  	s3 =	sadd.s32 $0x88, s3;
	s6 =	simm.s32 @!p1 $0x1082;
	[sflag:s4] =	ssyncset.s32 $0xFFFFF086  }
0x25: {  	[simem:s6], [sflag:s4] =	dma.local [hbm:s3], $0xF7A  }
0x26: {  	[smem:$0x3F9E] =	sst s1;
	(tag) =	ssettag s2;
	_ =	strace s9  }
0x27: {  	s1 =	sld [smem:$0x3FAE]  }
0x28: {  	s2 =	sld [smem:$0x3FAF]  }
0x29: {  	s4 =	sld [smem:$0x3FB1]  }
0x2a: {  	p0 =	seq.s32 s5, $0x0;
	s5 =	sld [smem:$0x3FB2]  }
0x2b: {  	s6 =	sld [smem:$0x3FB3]  }
0x2c: {  	s7 =	sld [smem:$0x3FB4]  }
0x2d: {  	s3 =	simm.s32 $0x108;
	s8 =	sld [smem:$0x3FB5]  }
0x2e: {  	s3 =	simm.s32 @!p0 $0x1082;
	s9 =	sld [smem:$0x3FB6]  }
0x2f: {  	lr =	sadd.s32 s0, s3;
	s0 =	sld [smem:$0x3FAD]  }
0x30: {  	s3 =	sld [smem:$0x3FB0]  }
0x31: {  	[smem:$0x3FB9] =	sst s10  }
0x32: {  	s10 =	sld [smem:$0x3FB7];
	_ =	sdelay $0x3  }
0x33: {  	p0 =	seq.s32 s10, $0x1;
	s10 =	sld [smem:$0x3FB9];
	_ =	sdelay $0x3  }
0x34: {  	[smem:$0x3FB9] =	sst s10  }
0x35: {  	s10 =	sld [smem:$0x3FB8];
	_ =	sdelay $0x3  }
0x36: {  	p1 =	seq.s32 s10, $0x1;
	s10 =	sld [smem:$0x3FB9];
	_ =	sdelay $0x3  }
0x37: {  	[smem:$0x3FB9] =	sst s10  }
0x38: {  	s10 =	sld [smem:$0x3FBA]  }
0x39: {  	_ = 	snop;
	(pc) =	sbr.ind lr, $3  }
0x3a: {  	_ = 	snop  }
0x3b: {  	_ = 	snop  }
0x3c: {  	p2 =	seq.s32 s10, $0x1;
	s10 =	sld [smem:$0x3FB9]  }
0x3d: {  	_ =	shalt  }
0x3e: {  	_ =	shalt  }
0x3f: {  	_ =	shalt  }
0x40: {  	_ =	shalt  }
0x41: {  	_ =	shalt  }
0x42: {  	_ =	shalt  }
0x43: {  	_ =	shalt  }
0x44: {  	_ =	shalt  }
0x45: {  	_ =	shalt  }
0x46: {  	_ =	shalt  }
0x47: {  	_ =	shalt  }
0x48: {  	_ =	shalt  }
0x49: {  	_ =	shalt  }
0x4a: {  	_ =	shalt  }
0x4b: {  	_ =	shalt  }
0x4c: {  	_ =	shalt  }
0x4d: {  	_ =	shalt  }
0x4e: {  	_ =	shalt  }
0x4f: {  	_ =	shalt  }
0x50: {  	_ =	shalt  }
0x51: {  	_ =	shalt  }
0x52: {  	_ =	shalt  }
0x53: {  	_ =	shalt  }
0x54: {  	_ =	shalt  }
0x55: {  	_ =	shalt  }
0x56: {  	_ =	shalt  }
0x57: {  	_ =	shalt  }
0x58: {  	_ =	shalt  }
0x59: {  	_ =	shalt  }
0x5a: {  	_ =	shalt  }
0x5b: {  	_ =	shalt  }
0x5c: {  	_ =	shalt  }
0x5d: {  	_ =	shalt  }
0x5e: {  	_ =	shalt  }
0x5f: {  	_ =	shalt  }
0x60: {  	_ =	shalt  }
0x61: {  	_ =	shalt  }
0x62: {  	_ =	shalt  }
0x63: {  	_ =	shalt  }
0x64: {  	_ =	shalt  }
0x65: {  	_ =	shalt  }
0x66: {  	_ =	shalt  }
0x67: {  	_ =	shalt  }
0x68: {  	_ =	shalt  }
0x69: {  	_ =	shalt  }
0x6a: {  	_ =	shalt  }
0x6b: {  	_ =	shalt  }
0x6c: {  	_ =	shalt  }
0x6d: {  	_ =	shalt  }
0x6e: {  	_ =	shalt  }
0x6f: {  	_ =	shalt  }
0x70: {  	_ =	shalt  }
0x71: {  	_ =	shalt  }
0x72: {  	_ =	shalt  }
0x73: {  	_ =	shalt  }
0x74: {  	_ =	shalt  }
0x75: {  	_ =	shalt  }
0x76: {  	_ =	shalt  }
0x77: {  	_ =	shalt  }
0x78: {  	_ =	shalt  }
0x79: {  	_ =	shalt  }
0x7a: {  	_ =	shalt  }
0x7b: {  	_ =	shalt  }
0x7c: {  	_ =	shalt  }
0x7d: {  	_ =	shalt  }
0x7e: {  	_ =	shalt  }
0x7f: {  	_ =	shalt  }
0x80: {  	_ =	shalt  }
0x81: {  	_ =	shalt  }
0x82: {  	_ =	shalt  }
0x83: {  	_ =	shalt  }
0x84: {  	_ =	shalt  }
0x85: {  	_ =	shalt  }
0x86: {  	_ =	shalt  }
0x87: {  	_ =	shalt  }
.Lfunc_end0:
.L_simem_size_0:
called_computation_lowered:
.L_overlay_start_0:
0x88: {  	s2 =	sld [smem:$0x3FD9]  }
0x89: {  	s3 =	sld [smem:$0x3FFE];
	_ =	sdelay $0x1  }
0x8a: {  	s1 =	srdreg.scid  }
0x8b: {  	s0 =	sand.u32 $0x1, s1  }
0x8c: {  	s18 =	sshll.u32 s0, $0xA;
	s2 =	sadd.s32 s3, s2  }
0x8d: {  	s2 =	sadd.s32 s2, s18  }
0x8e: {  	[smem:$0x3FC5] =	sst s2  }
0x8f: {  	_ = 	snop  }
0x90: {  	s2 =	sld [smem:$0x3FC9]  }
0x91: {  	s19 =	sld [smem:$0x3FC8]  }
0x92: {  	s4 =	sld [smem:$0x3FC7]  }
0x93: {  	s5 =	sld [smem:$0x3FD0];
	(tm) =	ssettm $0x1  }
0x94: {  	s6 =	sld [smem:$0x3FFB];
	_ =	sdelay $0x3  }
0x95: {  	_ =	strace s6  }
0x96: {  	s6 =	sld [smem:$0x3FFC];
	_ =	sdelay $0x3  }
0x97: {  	_ =	strace s6  }
0x98: {  	s6 =	sld [smem:$0x3FFD];
	_ =	sdelay $0x3  }
0x99: {  	_ =	strace s6  }
0x9a: {  	_ =	strace $0x8FFFFFFF  }
0x9b: {  	s20 =	sld [smem:$0x3FDB];
	_ =	sdelay $0x1  }
0x9c: {  	s7 =	simm.s32 $_scs_section_size  }
0x9d: {  	s8 =	simm.s32 $_size__tile_overlayer_lowered;
	s9 =	simm.s32 $_tile_overlayer_lowered  }
0x9e: {  	s23 =	simm.s32 $0x1BFF;
	s22 =	sshll.u32 s9, $0x1;
	s6 =	sadd.s32 s7, s20  }
0x9f: {  	s10 =	simm.s32 $0x0;
	s21 =	sshll.u32 s8, $0x1;
	s8 =	sadd.s32 s22, s6  }
0xa0: {  	[timem:s10], [sflag:s23] =	dma.local [hbm:s8], s21  }
0xa1: {  	_ =	swait.ge [sflag:s23], s21  }
0xa2: {  	s7 =	ssub.s32 $0x0, s21;
	[sflag:s23] =	ssyncset.done $0x0  }
0xa3: {  	[sflag:s23] =	ssyncadd.s32 s7;
	_ =	sdelay $0x1  }
0xa4: {  	s24 =	simm.s32 $0x1B8B  }
0xa5: {  	_ =	swait.ge [sflag:s24], $0x1  }
0xa6: {  	[sflag:s24] =	ssyncset.done $0x0  }
0xa7: {  	s25 =	simm.s32 $0x1B8E;
	[sflag:s24] =	ssyncadd.s32 $0xFFFFFFFF  }
0xa8: {  	s26 =	simm.s32 $execute0_lowered;
	[smem:$0x3FD2] =	sst s25  }
0xa9: {  	s7 =	sshll.u32 s26, $0x1;
	_ =	strace $0x80000046;
	[dreg:$0x1] =	wrdreg $0xFFFFFFFF  }
0xaa: {  	s28 =	simm.s32 $_size_execute0_lowered;
	s6 =	sadd.s32 s6, s7;
	[dreg:$0x0] =	wrdreg $0x0  }
0xab: {  	s7 =	sshll.u32 s28, $0x1;
	[dreg:$0x2] =	wrdreg s6  }
0xac: {  	[dreg:$0x3] =	wrdreg s7  }
0xad: {  	[dreg:$0x4] =	wrdreg $0xC0  }
0xae: {  	_ =	task [dreg:s10], $0x5FFFF  }
0xaf: {  	[dreg:$0x1] =	wrdreg $0xFFFFFFFF  }
0xb0: {  	[dreg:$0x0] =	wrdreg $0x60  }
0xb1: {  	[dreg:$0x2] =	wrdreg s2  }
0xb2: {  	[dreg:$0x3] =	wrdreg s19  }
0xb3: {  	[dreg:$0x4] =	wrdreg s4  }
0xb4: {  	[dreg:$0x5] =	wrdreg s5  }
0xb5: {  	[dreg:$0x6] =	wrdreg $0x9  }
0xb6: {  	_ =	task.clear_ibuf [dreg:s10], $0x7FFFF;
	_ =	strace $0x90000046  }
0xb7: {  	s29 =	simm.s32 $0x9;
	_ =	strace $0x80000048  }
0xb8: {  	_ =	swait.ge [sflag:s29], $0x1  }
0xb9: {  	[sflag:s29] =	ssyncadd.s32 $0xFFFFFFFF  }
0xba: {  	_ =	strace $0x90000048  }
0xbb: {  	_ =	sfence  }
0xbc: {  	s30 =	sld [smem:$0x0];
	_ =	sdelay $0x2  }
0xbd: {  	s31 =	sshll.u32 s1, $0xD;
	s1 =	sshrl.u32 s1, $0x2  }
0xbe: {  	s3 =	sand.u32 $0x4000, s31;
	s1 =	sadd.s32 s1, s30  }
0xbf: {  	s0 =	sor.u32 s3, s0;
	s1 =	sshll.u32 s1, $0x11  }
0xc0: {  	s0 =	sor.u32 s1, s0  }
0xc1: {  	s0 =	sadd.s32 $0x8F2B, s0  }
0xc2: {  	[sflag:s0] =	ssyncadd.remote.s32 $0x1  }
0xc3: {  	_ =	sfence.sel $0xFFFF  }
0xc4: {  	[dreg:$0x0] =	wrdreg $0xFFFFFFFF;
	(pc) =	sbr.abs _section_cstart, $3  }
0xc5: {  	[dreg:$0x1] =	wrdreg $0xFFFFFFFF  }
0xc6: {  	_ =	task.clear_ibuf [dreg:s10], $0x2FFFF;
	_ =	strace $0x9FFFFFFF  }
0xc7: {  	(tm) =	ssettm $0x7FFFFFFF  }
tec
execute0_lowered:
.L_overlay_start_1:
0x0: {  	(tag) =	ssettag $0x1  }
0x1: {  	s0 =	srdreg.scid;
	s1 =	rddreg [dreg:$0x1]  }
0x2: {  	s11 =	stileid.u32;
	s3 =	rddreg [dreg:$0x2]  }
0x3: {  	s5 =	rddreg [dreg:$0x3];
	s4 =	simm.s32 $0x0;
	s18 =	simm.s32 $0x5100  }
0x4: {  	s22 =	simm.s32 $0x7900;
	s23 =	simm.s32 $0xA100;
	s19 =	simm.s32 $0x11900  }
0x5: {  	s20 =	simm.s32 $0x14100;
	s21 =	simm.s32 $0x16900;
	s13 =	simm.s32 $0xA  }
0x6: {  	s29 =	simm.s32 $0x2;
	s31 =	simm.s32 $0x3;
	s30 =	simm.s32 $0x16900  }
0x7: {  	s28 =	simm.s32 $0x14100;
	s0 =	sand.u32 $0x1, s0;
	s10 =	smul.u32 $0x1900, s11  }
0x8: {  	[smem:$0x7FF] =	sst s4;
	s25 =	smul.u32 $0x19000, s11;
	s2 =	sshll.u32 s0, $0x4  }
0x9: {  	s7 =	ssub.s32 $0x2, s0;
	s8 =	smul.u32 $0x19000, s0;
	_ =	strace $0x80000047  }
0xa: {  	s0 =	smul.u32 $0x190000, s0;
	s2 =	sor.u32 s11, s2;
	s9 =	sshrl.u32 s7, $0x1  }
0xb: {  	s11 =	simm.s32 $0x8;
	s6 =	smul.u32 $0x1900, s2;
	s7 =	ssub.s32 s7, s9  }
0xc: {  	s2 =	smul.u32 $0x19000, s2;
	s0 =	sadd.s32 s0, s5;
	s26 =	smax.u32 s7, $0x1  }
0xd: {  	s7 =	sadd.s32 s10, s8;
	s0 =	sadd.s32 s25, s0;
	s10 =	simm.s32 $0x50  }
0xe: {  	s25 =	simm.s32 $0xC900;
	s6 =	sshrl.u32 s6, $0x3;
	[dreg:$0x7] =	wrdreg s26  }
0xf: {  	s24 =	sadd.s32 s5, s2;
	s0 =	sadd.s32 $0x1900, s0;
	[dreg:$0x8] =	wrdreg s7  }
0x10: {  	s2 =	simm.s32 $0x1B900;
	s1 =	sadd.s32 s1, s6;
	[dreg:$0x9] =	wrdreg s0  }
0x11: {  	s26 =	simm.s32 $0x1;
	[dreg:$0x6] =	wrdreg s1;
	s1 =	sadd.s32 $0x17200, s24  }
0x12: {  	s24 =	simm.s32 $0x19100;
	[dreg:$0x5] =	wrdreg s1;
	s1 =	simm.s32 $0x0  }
.LBB2_1:
0x13: {  	[dreg:$0xa] =	wrdreg s1  }
0x14: {  	s5 =	rddreg [dreg:$0x0];
	s12 =	simm.s32 $0x15  }
0x15: {  	[tilespmem:s4], [sflag:$0x15] =	stream.linear.gather [hbm4b:s5+s4], $0x1000, $0x38;
	[tilespmem:$0x1E100] =	vst v63  }
0x16: {  	_ =	swait.ge [sflag:s12], $0x1000  }
0x17: {  	[sflag:s12] =	ssyncset.done $0x0  }
0x18: {  	s5 =	simm.s32 $0x1000;
	s6 =	rddreg [dreg:$0x6];
	[sflag:s12] =	ssyncadd.s32 $0xFFFFF000  }
0x19: {  	[tilespmem:s5], [sflag:$0x15] =	stream.linear.gather [hbm4b:s6+s4], $0x1900, $0x38;
	[tilespmem:$0x1E100] =	vst v63  }
0x1a: {  	s14 =	sadd.s32 $0x0, s7;
	s8 =	smul.u32 $0xCCCD, s4;
	_ =	swait.ge [sflag:s12], $0x1900  }
0x1b: {  	s9 =	sand.u32 $0x70, s4;
	s6 =	sand.u32 $0xF80, s14;
	[sflag:s12] =	ssyncset.done $0x0  }
0x1c: {  	s6 =	sor.u32 s9, s6;
	[sflag:s12] =	ssyncadd.s32 $0xFFFFE700  }
0x1d: {  	s16 =	sshrl.u32 s8, $0x12;
	v1 =	vld [tilespmem:s6+$0x0]  }
0x1e: {  	s15 =	smul.u32 $0x5, s16  }
0x1f: {  	s16 =	sshll.u32 s16, $0x7;
	v0 =	vld [tilespmem:s5+$0x0]  }
0x20: {  	s17 =	ssub.s32 $0x0, s15;
	s15 =	sadd.s32 $0x10, s7;
	s9 =	simm.s32 $0x10  }
0x21: {  	s17 =	sand.u32 $0xFFFF, s17;
	s14 =	sand.u32 $0x70, s9;
	s6 =	simm.s32 $0x1  }
0x22: {  	s17 =	sshll.u32 s17, $0x4;
	s12 =	simm.s32 $0x2;
	s8 =	smul.u32 $0xCCCD, s6;
	v1 =	vshll.u32 v1, $0x6  }
.LBB2_2:
0x23: {  	s15 =	sand.u32 $0xF80, s15  }
0x24: {  	p0 =	sne.s32 s12, $0x18F;
	v0 =	vadd.s32 v0, v1;
	s16 =	sor.u32 s17, s16;
	s14 =	sor.u32 s14, s15  }
0x25: {  	[tilespmem:s16+$0x2900] =	vst v0;
	s15 =	smov.u32 s6;
	s6 =	smov.u32 s12;
	s16 =	sshrl.u32 s8, $0x12  }
0x26: {  	s5 =	sadd.s32 $0x10, s5;
	v1 =	vld [tilespmem:s14+$0x0];
	s14 =	smul.u32 $0x5, s16  }
.Ltmp0:
0x27: {  	v0 =	vld [tilespmem:s5+$0x0];
	(pc) =	sbr.rel @p0 .LBB2_2-.Ltmp0, $4  }
0x28: {  	_ = 	snop  }
0x29: {  	s9 =	sadd.s32 $0x10, s9;
	s8 =	smul.u32 $0xCCCD, s12;
	s17 =	ssub.s32 s15, s14  }
0x2a: {  	s15 =	sadd.s32 s9, s7;
	s14 =	sand.u32 $0x70, s9;
	s17 =	sand.u32 $0xFFFF, s17  }
0x2b: {  	s12 =	sadd.s32 $0x1, s12;
	s16 =	sshll.u32 s16, $0x7;
	s17 =	sshll.u32 s17, $0x4;
	v1 =	vshll.u32 v1, $0x6  }
0x2c: {  	s9 =	sand.u32 $0xF80, s15;
	v0 =	vadd.s32 v0, v1;
	s12 =	sor.u32 s17, s16  }
0x2d: {  	s9 =	sor.u32 s14, s9;
	[tilespmem:s12+$0x2900] =	vst v0  }
0x2e: {  	s8 =	sshrl.u32 s8, $0x12;
	s5 =	sadd.s32 $0x10, s5;
	v0 =	vld [tilespmem:s9+$0x0]  }
0x2f: {  	s1 =	smul.u32 $0x5, s8;
	v63 =	vld [tilespmem:s5+$0x0];
	_ =	sdelay $0x1  }
0x30: {  	s5 =	ssub.s32 s6, s1  }
0x31: {  	s5 =	sand.u32 $0xFFFF, s5  }
0x32: {  	s7 =	sshll.u32 s8, $0x7;
	s5 =	sshll.u32 s5, $0x4;
	v0 =	vshll.u32 v0, $0x6  }
0x33: {  	s5 =	sor.u32 s5, s7;
	v0 =	vadd.s32 v63, v0  }
0x34: {  	s8 =	simm.s32 $0x2900;
	[tilespmem:s5+$0x2900] =	vst v0  }
0x35: {  	[tilespmem:s18], [sflag:$0x1] =	stream.indirect.gather [hbm4b:s3+s10], $0x80, s8, s10, $0xb8;
	[tilespmem:$0x1E100] =	vst v63  }
0x36: {  	s9 =	simm.s32 $0x2980  }
0x37: {  	[tilespmem:s22], [sflag:$0x2] =	stream.indirect.gather [hbm4b:s3+s10], $0x80, s9, s10, $0xb8;
	[tilespmem:$0x1E100] =	vst v63  }
0x38: {  	s12 =	simm.s32 $0x2A00  }
0x39: {  	[tilespmem:s23], [sflag:$0x3] =	stream.indirect.gather [hbm4b:s3+s10], $0x80, s12, s10, $0xb8;
	[tilespmem:$0x1E100] =	vst v63  }
0x3a: {  	s14 =	simm.s32 $0x2A80  }
0x3b: {  	[tilespmem:s25], [sflag:$0x4] =	stream.indirect.gather [hbm4b:s3+s10], $0x80, s14, s10, $0xb8;
	[tilespmem:$0x1E100] =	vst v63  }
0x3c: {  	s15 =	simm.s32 $0x2B00;
	s16 =	simm.s32 $0xF100;
	p0 =	por $0x1, $0x1  }
0x3d: {  	[tilespmem:s16], [sflag:$0x5] =	stream.indirect.gather [hbm4b:s3+s10], $0x80, s15, s10, $0xb8;
	[tilespmem:$0x1E100] =	vst v63  }
0x3e: {  	s17 =	simm.s32 $0x2B80;
	s5 =	simm.s32 @!p0 $0x11  }
0x3f: {  	[tilespmem:s19], [sflag:$0x6] =	stream.indirect.gather [hbm4b:s3+s10], $0x80, s17, s10, $0xb8;
	[tilespmem:$0x1E100] =	vst v63  }
0x40: {  	_ =	swait.ge @!p0 [sflag:s5], $0x2800  }
0x41: {  	[sflag:s5] =	ssyncset.done @!p0 $0x0  }
0x42: {  	s0 =	simm.s32 $0x2C00;
	[sflag:s5] =	ssyncadd.s32 @!p0 $0xFFFFD800  }
0x43: {  	[tilespmem:s20], [sflag:$0x7] =	stream.indirect.gather [hbm4b:s3+s10], $0x80, s0, s10, $0xb8;
	[tilespmem:$0x1E100] =	vst v63  }
0x44: {  	_ =	swait.ge [sflag:s26], $0x2800  }
0x45: {  	[sflag:s26] =	ssyncset.done $0x0;
	s7 =	rddreg [dreg:$0x9]  }
0x46: {  	s6 =	simm.s32 @!p0 $0x12;
	s1 =	sadd.s32 $0xFFFFE700, s7;
	[sflag:s26] =	ssyncadd.s32 $0xFFFFD800  }
0x47: {  	[hbm4b:s1+s4] =	stream.linear.scatter [tilespmem:s18], [sflag:$0xB], $0x2800, $0x38;
	[tilespmem:$0x1E100] =	vst v63  }
0x48: {  	_ =	swait.ge @!p0 [sflag:s6], $0x2800  }
0x49: {  	[sflag:s6] =	ssyncset.done @!p0 $0x0  }
0x4a: {  	s8 =	simm.s32 $0x2C80;
	[sflag:s6] =	ssyncadd.s32 @!p0 $0xFFFFD800  }
0x4b: {  	[tilespmem:s21], [sflag:$0x8] =	stream.indirect.gather [hbm4b:s3+s10], $0x80, s8, s10, $0xb8;
	[tilespmem:$0x1E100] =	vst v63  }
0x4c: {  	_ =	swait.ge [sflag:s29], $0x2800  }
0x4d: {  	p0 =	por $0x1, $0x1;
	[sflag:s29] =	ssyncset.done $0x0  }
0x4e: {  	s9 =	sadd.s32 $0xFFFFEC00, s7;
	s6 =	simm.s32 @!p0 $0x13;
	[sflag:s29] =	ssyncadd.s32 $0xFFFFD800  }
0x4f: {  	[hbm4b:s9+s4] =	stream.linear.scatter [tilespmem:s22], [sflag:$0xC], $0x2800, $0x38;
	[tilespmem:$0x1E100] =	vst v63  }
0x50: {  	_ =	swait.ge @!p0 [sflag:s6], $0x2800  }
0x51: {  	[sflag:s6] =	ssyncset.done @!p0 $0x0  }
0x52: {  	s12 =	simm.s32 $0x2D00;
	[sflag:s6] =	ssyncadd.s32 @!p0 $0xFFFFD800  }
0x53: {  	[tilespmem:s24], [sflag:$0x9] =	stream.indirect.gather [hbm4b:s3+s10], $0x80, s12, s10, $0xb8;
	[tilespmem:$0x1E100] =	vst v63  }
0x54: {  	_ =	swait.ge [sflag:s31], $0x2800  }
0x55: {  	[sflag:s31] =	ssyncset.done $0x0  }
0x56: {  	s14 =	sadd.s32 $0xFFFFF100, s7;
	s6 =	simm.s32 @!p0 $0x14;
	[sflag:s31] =	ssyncadd.s32 $0xFFFFD800  }
0x57: {  	[hbm4b:s14+s4] =	stream.linear.scatter [tilespmem:s23], [sflag:$0xD], $0x2800, $0x38;
	[tilespmem:$0x1E100] =	vst v63  }
0x58: {  	_ =	swait.ge @!p0 [sflag:s6], $0x2800  }
0x59: {  	[sflag:s6] =	ssyncset.done @!p0 $0x0  }
0x5a: {  	s15 =	simm.s32 $0x2D80;
	[sflag:s6] =	ssyncadd.s32 @!p0 $0xFFFFD800  }
0x5b: {  	[tilespmem:s2], [sflag:$0xA] =	stream.indirect.gather [hbm4b:s3+s10], $0x80, s15, s10, $0xb8;
	[tilespmem:$0x1E100] =	vst v63  }
0x5c: {  	s2 =	simm.s32 $0x4  }
0x5d: {  	_ =	swait.ge [sflag:s2], $0x2800  }
0x5e: {  	p0 =	por $0x0, $0x0;
	[sflag:s2] =	ssyncset.done $0x0  }
0x5f: {  	s16 =	sadd.s32 $0xFFFFF600, s7;
	s6 =	simm.s32 @p0 $0x5;
	[sflag:s2] =	ssyncadd.s32 $0xFFFFD800  }
0x60: {  	[hbm4b:s16+s4] =	stream.linear.scatter [tilespmem:s25], [sflag:$0xE], $0x2800, $0x38;
	[tilespmem:$0x1E100] =	vst v63  }
0x61: {  	_ =	swait.ge @p0 [sflag:s6], $0x2800  }
0x62: {  	s8 =	simm.s32 @p0 $0xF100;
	s9 =	simm.s32 @!p0 $0xB;
	[sflag:s6] =	ssyncset.done @p0 $0x0  }
0x63: {  	s5 =	rddreg [dreg:$0x5];
	[sflag:s6] =	ssyncadd.s32 @p0 $0xFFFFD800;
	s6 =	simm.s32 @p0 $0x0  }
0x64: {  	[hbm4b:s5+s6] =	stream.linear.scatter @p0 [tilespmem:s8], [sflag:$0xF], $0x2800, $0x38;
	[tilespmem:$0x1E100] =	vst v63  }
0x65: {  	_ =	swait.ge @!p0 [sflag:s9], $0x2800  }
0x66: {  	s5 =	simm.s32 @!p0 $0x2E00;
	s8 =	simm.s32 @!p0 $0x50;
	[sflag:s9] =	ssyncset.done @!p0 $0x0  }
0x67: {  	s6 =	simm.s32 @!p0 $0x5100;
	[sflag:s9] =	ssyncadd.s32 @!p0 $0xFFFFD800;
	s9 =	simm.s32 @!p0 $0x5  }
0x68: {  	[tilespmem:s6], [sflag:$0x1] =	stream.indirect.gather @!p0 [hbm4b:s3+s8], $0x80, s5, s8, $0xb8;
	[tilespmem:$0x1E100] =	vst v63  }
0x69: {  	_ =	swait.ge @!p0 [sflag:s9], $0x2800  }
0x6a: {  	s12 =	simm.s32 @!p0 $0x0;
	s5 =	simm.s32 @!p0 $0xF100;
	[sflag:s9] =	ssyncset.done @!p0 $0x0  }
0x6b: {  	s6 =	sadd.s32 @!p0 $0xFFFFFB00, s7;
	[sflag:s9] =	ssyncadd.s32 @!p0 $0xFFFFD800;
	s9 =	simm.s32 @!p0 $0xC  }
0x6c: {  	[hbm4b:s6+s12] =	stream.linear.scatter @!p0 [tilespmem:s5], [sflag:$0xF], $0x2800, $0x38;
	[tilespmem:$0x1E100] =	vst v63  }
0x6d: {  	_ =	swait.ge @!p0 [sflag:s9], $0x2800  }
0x6e: {  	s0 =	simm.s32 $0x6;
	[sflag:s9] =	ssyncset.done @!p0 $0x0  }
0x6f: {  	s6 =	simm.s32 @!p0 $0x2E80;
	s12 =	simm.s32 @!p0 $0x7900;
	[sflag:s9] =	ssyncadd.s32 @!p0 $0xFFFFD800  }
0x70: {  	[tilespmem:s12], [sflag:$0x2] =	stream.indirect.gather @!p0 [hbm4b:s3+s8], $0x80, s6, s8, $0xb8;
	[tilespmem:$0x1E100] =	vst v63  }
0x71: {  	_ =	swait.ge [sflag:s0], $0x2800  }
0x72: {  	[sflag:s0] =	ssyncset.done $0x0  }
0x73: {  	s6 =	simm.s32 @!p0 $0xD;
	[sflag:s0] =	ssyncadd.s32 $0xFFFFD800  }
0x74: {  	[hbm4b:s7+s4] =	stream.linear.scatter [tilespmem:s19], [sflag:$0x10], $0x2800, $0x38;
	[tilespmem:$0x1E100] =	vst v63  }
0x75: {  	_ =	swait.ge @!p0 [sflag:s6], $0x2800  }
0x76: {  	s1 =	simm.s32 $0x7;
	[sflag:s6] =	ssyncset.done @!p0 $0x0  }
0x77: {  	s9 =	simm.s32 @!p0 $0x2F00;
	s12 =	simm.s32 @!p0 $0xA100;
	[sflag:s6] =	ssyncadd.s32 @!p0 $0xFFFFD800  }
0x78: {  	[tilespmem:s12], [sflag:$0x3] =	stream.indirect.gather @!p0 [hbm4b:s3+s8], $0x80, s9, s8, $0xb8;
	[tilespmem:$0x1E100] =	vst v63  }
0x79: {  	_ =	swait.ge [sflag:s1], $0x2800  }
0x7a: {  	[sflag:s1] =	ssyncset.done $0x0  }
0x7b: {  	s17 =	sadd.s32 $0x500, s7;
	s9 =	simm.s32 @!p0 $0xE;
	[sflag:s1] =	ssyncadd.s32 $0xFFFFD800  }
0x7c: {  	[hbm4b:s17+s4] =	stream.linear.scatter [tilespmem:s20], [sflag:$0x11], $0x2800, $0x38;
	[tilespmem:$0x1E100] =	vst v63  }
0x7d: {  	_ =	swait.ge @!p0 [sflag:s9], $0x2800  }
0x7e: {  	[sflag:s9] =	ssyncset.done @!p0 $0x0  }
0x7f: {  	s6 =	simm.s32 @!p0 $0x2F80;
	s12 =	simm.s32 @!p0 $0xC900;
	[sflag:s9] =	ssyncadd.s32 @!p0 $0xFFFFD800  }
0x80: {  	[tilespmem:s12], [sflag:$0x4] =	stream.indirect.gather @!p0 [hbm4b:s3+s8], $0x80, s6, s8, $0xb8;
	[tilespmem:$0x1E100] =	vst v63  }
0x81: {  	_ =	swait.ge [sflag:s11], $0x2800  }
0x82: {  	[sflag:s11] =	ssyncset.done $0x0  }
0x83: {  	s19 =	sadd.s32 $0xA00, s7;
	s9 =	simm.s32 @!p0 $0xF;
	[sflag:s11] =	ssyncadd.s32 $0xFFFFD800  }
0x84: {  	[hbm4b:s19+s4] =	stream.linear.scatter [tilespmem:s21], [sflag:$0x12], $0x2800, $0x38;
	[tilespmem:$0x1E100] =	vst v63  }
0x85: {  	_ =	swait.ge @!p0 [sflag:s9], $0x2800  }
0x86: {  	[sflag:s9] =	ssyncset.done @!p0 $0x0  }
0x87: {  	s20 =	simm.s32 $0x9;
	s6 =	simm.s32 @!p0 $0x3000;
	[sflag:s9] =	ssyncadd.s32 @!p0 $0xFFFFD800  }
0x88: {  	[tilespmem:s5], [sflag:$0x5] =	stream.indirect.gather @!p0 [hbm4b:s3+s8], $0x80, s6, s8, $0xb8;
	[tilespmem:$0x1E100] =	vst v63  }
0x89: {  	p1 =	por $0x0, $0x0;
	s14 =	simm.s32 @!p0 $0x11900;
	_ =	swait.ge [sflag:s20], $0x2800  }
0x8a: {  	s15 =	simm.s32 $0x6;
	s17 =	sadd.s32 $0x1400, s7;
	[sflag:s20] =	ssyncset.done $0x0  }
0x8b: {  	s21 =	sadd.s32 $0xF00, s7;
	s9 =	simm.s32 @!p0 $0x10;
	[sflag:s20] =	ssyncadd.s32 $0xFFFFD800  }
0x8c: {  	[hbm4b:s21+s4] =	stream.linear.scatter [tilespmem:s24], [sflag:$0x13], $0x2800, $0x38;
	[tilespmem:$0x1E100] =	vst v63  }
0x8d: {  	s12 =	simm.s32 @!p0 $0x3080;
	s11 =	simm.s32 $0x8;
	_ =	swait.ge @!p0 [sflag:s9], $0x2800  }
0x8e: {  	s19 =	simm.s32 $0x2800;
	s5 =	sadd.s32 $0x3200, s7;
	[sflag:s9] =	ssyncset.done @!p0 $0x0  }
0x8f: {  	s6 =	simm.s32 $0x1400;
	s21 =	sadd.s32 $0x1400, s5;
	[sflag:s9] =	ssyncadd.s32 @!p0 $0xFFFFD800  }
0x90: {  	[tilespmem:s14], [sflag:$0x6] =	stream.indirect.gather @!p0 [hbm4b:s3+s8], $0x80, s12, s8, $0xb8;
	[tilespmem:$0x1E100] =	vst v63  }
0x91: {  	s24 =	simm.s32 $0x19100;
	s9 =	sadd.s32 $0x3200, s5;
	_ =	swait.ge [sflag:s13], $0x2800  }
.LBB2_4:
0x92: {  	[sflag:s13] =	ssyncset.done $0x0  }
0x93: {  	s12 =	simm.s32 @!p1 $0x11;
	s7 =	simm.s32 $0x1B900;
	[sflag:s13] =	ssyncadd.s32 $0xFFFFD800  }
0x94: {  	[hbm4b:s17+s4] =	stream.linear.scatter [tilespmem:s7], [sflag:$0x14], $0x2800, $0x38;
	[tilespmem:$0x1E100] =	vst v63  }
0x95: {  	_ =	swait.ge @!p1 [sflag:s12], $0x2800  }
0x96: {  	s8 =	sshra.s32 s6, $0x2;
	[sflag:s12] =	ssyncset.done @!p1 $0x0  }
0x97: {  	s16 =	sadd.s32 $0x2C00, s8;
	[sflag:s12] =	ssyncadd.s32 @!p1 $0xFFFFD800  }
0x98: {  	[tilespmem:s28], [sflag:$0x7] =	stream.indirect.gather [hbm4b:s3+s10], $0x80, s16, s10, $0xb8;
	[tilespmem:$0x1E100] =	vst v63  }
0x99: {  	s14 =	sadd.s32 $0x1400, s9;
	_ =	swait.ge [sflag:s26], $0x2800  }
0x9a: {  	s17 =	smov.u32 s21;
	s21 =	smov.u32 s14;
	[sflag:s26] =	ssyncset.done $0x0  }
0x9b: {  	s14 =	simm.s32 @!p1 $0x12;
	s16 =	sadd.s32 $0xFFFFE700, s5;
	[sflag:s26] =	ssyncadd.s32 $0xFFFFD800  }
0x9c: {  	[hbm4b:s16+s4] =	stream.linear.scatter [tilespmem:s18], [sflag:$0xB], $0x2800, $0x38;
	[tilespmem:$0x1E100] =	vst v63  }
0x9d: {  	_ =	swait.ge @!p1 [sflag:s14], $0x2800  }
0x9e: {  	[sflag:s14] =	ssyncset.done @!p1 $0x0  }
0x9f: {  	s18 =	sadd.s32 $0x2C80, s8;
	[sflag:s14] =	ssyncadd.s32 @!p1 $0xFFFFD800  }
0xa0: {  	[tilespmem:s30], [sflag:$0x8] =	stream.indirect.gather [hbm4b:s3+s10], $0x80, s18, s10, $0xb8;
	[tilespmem:$0x1E100] =	vst v63  }
0xa1: {  	s14 =	sadd.s32 $0x2, s15;
	_ =	swait.ge [sflag:s29], $0x2800  }
0xa2: {  	p1 =	sgt.u32 s14, $0x45;
	[sflag:s29] =	ssyncset.done $0x0  }
0xa3: {  	s16 =	sadd.s32 $0xFFFFEC00, s5;
	s12 =	simm.s32 @!p1 $0x13;
	[sflag:s29] =	ssyncadd.s32 $0xFFFFD800  }
0xa4: {  	[hbm4b:s16+s4] =	stream.linear.scatter [tilespmem:s22], [sflag:$0xC], $0x2800, $0x38;
	[tilespmem:$0x1E100] =	vst v63  }
0xa5: {  	_ =	swait.ge @!p1 [sflag:s12], $0x2800  }
0xa6: {  	[sflag:s12] =	ssyncset.done @!p1 $0x0  }
0xa7: {  	s18 =	sadd.s32 $0x2D00, s8;
	[sflag:s12] =	ssyncadd.s32 @!p1 $0xFFFFD800  }
0xa8: {  	[tilespmem:s24], [sflag:$0x9] =	stream.indirect.gather [hbm4b:s3+s10], $0x80, s18, s10, $0xb8;
	[tilespmem:$0x1E100] =	vst v63  }
0xa9: {  	_ =	swait.ge [sflag:s31], $0x2800  }
0xaa: {  	[sflag:s31] =	ssyncset.done $0x0  }
0xab: {  	s14 =	simm.s32 @!p1 $0x14;
	s22 =	sadd.s32 $0xFFFFF100, s5;
	[sflag:s31] =	ssyncadd.s32 $0xFFFFD800  }
0xac: {  	[hbm4b:s22+s4] =	stream.linear.scatter [tilespmem:s23], [sflag:$0xD], $0x2800, $0x38;
	[tilespmem:$0x1E100] =	vst v63  }
0xad: {  	_ =	swait.ge @!p1 [sflag:s14], $0x2800  }
0xae: {  	[sflag:s14] =	ssyncset.done @!p1 $0x0  }
0xaf: {  	s20 =	smov.u32 s19;
	s8 =	sadd.s32 $0x2D80, s8;
	[sflag:s14] =	ssyncadd.s32 @!p1 $0xFFFFD800  }
0xb0: {  	[tilespmem:s7], [sflag:$0xA] =	stream.indirect.gather [hbm4b:s3+s10], $0x80, s8, s10, $0xb8;
	[tilespmem:$0x1E100] =	vst v63  }
0xb1: {  	s14 =	sadd.s32 $0xFFFFF600, s5;
	p1 =	seq.s32 s6, $0x8C00;
	_ =	swait.ge [sflag:s2], $0x2800  }
0xb2: {  	s12 =	simm.s32 @p1 $0x5;
	s6 =	sshra.s32 @!p1 s6, $0x2;
	[sflag:s2] =	ssyncset.done $0x0  }
0xb3: {  	s7 =	simm.s32 @p1 $0x0;
	s23 =	simm.s32 @p1 $0xF100;
	[sflag:s2] =	ssyncadd.s32 $0xFFFFD800  }
0xb4: {  	[hbm4b:s14+s4] =	stream.linear.scatter [tilespmem:s25], [sflag:$0xE], $0x2800, $0x38;
	[tilespmem:$0x1E100] =	vst v63  }
0xb5: {  	s16 =	sadd.s32 @!p1 $0x2E00, s6;
	s18 =	sadd.s32 @!p1 $0x2E80, s6;
	_ =	swait.ge @p1 [sflag:s12], $0x2800  }
0xb6: {  	s22 =	sadd.s32 @!p1 $0x2F00, s6;
	s25 =	simm.s32 @!p1 $0xB;
	[sflag:s12] =	ssyncset.done @p1 $0x0  }
0xb7: {  	s14 =	sadd.s32 @!p1 $0x2F80, s6;
	s8 =	rddreg [dreg:$0x5];
	[sflag:s12] =	ssyncadd.s32 @p1 $0xFFFFD800  }
0xb8: {  	[hbm4b:s8+s7] =	stream.linear.scatter @p1 [tilespmem:s23], [sflag:$0xF], $0x2800, $0x38;
	[tilespmem:$0x1E100] =	vst v63  }
0xb9: {  	s12 =	sadd.s32 @!p1 $0x3000, s6;
	s8 =	sadd.s32 @!p1 $0x3080, s6;
	_ =	swait.ge @!p1 [sflag:s25], $0x2800  }
0xba: {  	s6 =	smov.u32 s20;
	s20 =	simm.s32 @!p1 $0x50;
	[sflag:s25] =	ssyncset.done @!p1 $0x0  }
0xbb: {  	s7 =	simm.s32 @!p1 $0x5100;
	s23 =	simm.s32 @!p1 $0x5;
	[sflag:s25] =	ssyncadd.s32 @!p1 $0xFFFFD800  }
0xbc: {  	[tilespmem:s7], [sflag:$0x1] =	stream.indirect.gather @!p1 [hbm4b:s3+s20], $0x80, s16, s20, $0xb8;
	[tilespmem:$0x1E100] =	vst v63  }
0xbd: {  	_ =	swait.ge @!p1 [sflag:s23], $0x2800  }
0xbe: {  	s25 =	simm.s32 @!p1 $0x0;
	s16 =	simm.s32 @!p1 $0xF100;
	[sflag:s23] =	ssyncset.done @!p1 $0x0  }
0xbf: {  	s7 =	sadd.s32 @!p1 $0xFFFFFB00, s5;
	[sflag:s23] =	ssyncadd.s32 @!p1 $0xFFFFD800;
	s23 =	simm.s32 @!p1 $0xC  }
0xc0: {  	[hbm4b:s7+s25] =	stream.linear.scatter @!p1 [tilespmem:s16], [sflag:$0xF], $0x2800, $0x38;
	[tilespmem:$0x1E100] =	vst v63  }
0xc1: {  	_ =	swait.ge @!p1 [sflag:s23], $0x2800  }
0xc2: {  	[sflag:s23] =	ssyncset.done @!p1 $0x0  }
0xc3: {  	s7 =	simm.s32 @!p1 $0x7900;
	[sflag:s23] =	ssyncadd.s32 @!p1 $0xFFFFD800  }
0xc4: {  	[tilespmem:s7], [sflag:$0x2] =	stream.indirect.gather @!p1 [hbm4b:s3+s20], $0x80, s18, s20, $0xb8;
	[tilespmem:$0x1E100] =	vst v63  }
0xc5: {  	_ =	swait.ge [sflag:s0], $0x2800  }
0xc6: {  	[sflag:s0] =	ssyncset.done $0x0  }
0xc7: {  	s7 =	simm.s32 @!p1 $0xD;
	s18 =	simm.s32 $0x11900;
	[sflag:s0] =	ssyncadd.s32 $0xFFFFD800  }
0xc8: {  	[hbm4b:s5+s4] =	stream.linear.scatter [tilespmem:s18], [sflag:$0x10], $0x2800, $0x38;
	[tilespmem:$0x1E100] =	vst v63  }
0xc9: {  	_ =	swait.ge @!p1 [sflag:s7], $0x2800  }
0xca: {  	[sflag:s7] =	ssyncset.done @!p1 $0x0  }
0xcb: {  	s18 =	simm.s32 @!p1 $0xA100;
	[sflag:s7] =	ssyncadd.s32 @!p1 $0xFFFFD800  }
0xcc: {  	[tilespmem:s18], [sflag:$0x3] =	stream.indirect.gather @!p1 [hbm4b:s3+s20], $0x80, s22, s20, $0xb8;
	[tilespmem:$0x1E100] =	vst v63  }
0xcd: {  	_ =	swait.ge [sflag:s1], $0x2800  }
0xce: {  	[sflag:s1] =	ssyncset.done $0x0  }
0xcf: {  	s7 =	sadd.s32 $0x500, s5;
	s18 =	simm.s32 @!p1 $0xE;
	[sflag:s1] =	ssyncadd.s32 $0xFFFFD800  }
0xd0: {  	[hbm4b:s7+s4] =	stream.linear.scatter [tilespmem:s28], [sflag:$0x11], $0x2800, $0x38;
	[tilespmem:$0x1E100] =	vst v63  }
0xd1: {  	_ =	swait.ge @!p1 [sflag:s18], $0x2800  }
0xd2: {  	[sflag:s18] =	ssyncset.done @!p1 $0x0  }
0xd3: {  	s7 =	simm.s32 @!p1 $0xC900;
	[sflag:s18] =	ssyncadd.s32 @!p1 $0xFFFFD800  }
0xd4: {  	[tilespmem:s7], [sflag:$0x4] =	stream.indirect.gather @!p1 [hbm4b:s3+s20], $0x80, s14, s20, $0xb8;
	[tilespmem:$0x1E100] =	vst v63  }
0xd5: {  	_ =	swait.ge [sflag:s11], $0x2800  }
0xd6: {  	[sflag:s11] =	ssyncset.done $0x0  }
0xd7: {  	s7 =	sadd.s32 $0xA00, s5;
	s14 =	simm.s32 @!p1 $0xF;
	[sflag:s11] =	ssyncadd.s32 $0xFFFFD800  }
0xd8: {  	[hbm4b:s7+s4] =	stream.linear.scatter [tilespmem:s30], [sflag:$0x12], $0x2800, $0x38;
	[tilespmem:$0x1E100] =	vst v63  }
0xd9: {  	_ =	swait.ge @!p1 [sflag:s14], $0x2800  }
0xda: {  	[sflag:s14] =	ssyncset.done @!p1 $0x0  }
0xdb: {  	s19 =	sadd.s32 $0x1400, s19;
	[sflag:s14] =	ssyncadd.s32 @!p1 $0xFFFFD800;
	s14 =	simm.s32 $0x9  }
0xdc: {  	[tilespmem:s16], [sflag:$0x5] =	stream.indirect.gather @!p1 [hbm4b:s3+s20], $0x80, s12, s20, $0xb8;
	[tilespmem:$0x1E100] =	vst v63  }
0xdd: {  	p0 =	sne.s32 s19, $0xA000;
	_ =	swait.ge [sflag:s14], $0x2800  }
0xde: {  	s15 =	sadd.s32 $0xA, s15;
	s25 =	simm.s32 $0xC900;
	[sflag:s14] =	ssyncset.done $0x0  }
0xdf: {  	s16 =	sadd.s32 $0xF00, s5;
	s12 =	simm.s32 @!p1 $0x10;
	[sflag:s14] =	ssyncadd.s32 $0xFFFFD800  }
0xe0: {  	[hbm4b:s16+s4] =	stream.linear.scatter [tilespmem:s24], [sflag:$0x13], $0x2800, $0x38;
	[tilespmem:$0x1E100] =	vst v63  }
.Ltmp1:
0xe1: {  	s23 =	simm.s32 $0xA100;
	_ =	swait.ge @!p1 [sflag:s12], $0x2800;
	(pc) =	sbr.rel @p0 .LBB2_4-.Ltmp1, $4  }
0xe2: {  	s22 =	simm.s32 $0x7900;
	s18 =	simm.s32 $0x5100;
	[sflag:s12] =	ssyncset.done @!p1 $0x0  }
0xe3: {  	s7 =	simm.s32 @!p1 $0x11900;
	s5 =	smov.u32 s9;
	[sflag:s12] =	ssyncadd.s32 @!p1 $0xFFFFD800  }
0xe4: {  	[tilespmem:s7], [sflag:$0x6] =	stream.indirect.gather @!p1 [hbm4b:s3+s20], $0x80, s8, s20, $0xb8;
	[tilespmem:$0x1E100] =	vst v63  }
0xe5: {  	s9 =	sadd.s32 $0x3200, s9;
	p1 =	sgt.u32 s15, $0x45;
	_ =	swait.ge [sflag:s13], $0x2800  }
0xe6: {  	[sflag:s13] =	ssyncset.done $0x0  }
0xe7: {  	s7 =	simm.s32 @!p1 $0x11;
	s16 =	simm.s32 $0x1B900;
	[sflag:s13] =	ssyncadd.s32 $0xFFFFD800  }
0xe8: {  	[hbm4b:s17+s4] =	stream.linear.scatter [tilespmem:s16], [sflag:$0x14], $0x2800, $0x38;
	[tilespmem:$0x1E100] =	vst v63  }
0xe9: {  	_ =	swait.ge @!p1 [sflag:s7], $0x2800  }
0xea: {  	s8 =	sshra.s32 s6, $0x2;
	[sflag:s7] =	ssyncset.done @!p1 $0x0  }
0xeb: {  	s9 =	sadd.s32 $0x2C00, s8;
	[sflag:s7] =	ssyncadd.s32 @!p1 $0xFFFFD800  }
0xec: {  	[tilespmem:s28], [sflag:$0x7] =	stream.indirect.gather [hbm4b:s3+s10], $0x80, s9, s10, $0xb8;
	[tilespmem:$0x1E100] =	vst v63  }
0xed: {  	_ =	swait.ge [sflag:s26], $0x2800  }
0xee: {  	[sflag:s26] =	ssyncset.done $0x0  }
0xef: {  	s12 =	sadd.s32 $0xFFFFE700, s5;
	s9 =	simm.s32 @!p1 $0x12;
	[sflag:s26] =	ssyncadd.s32 $0xFFFFD800  }
0xf0: {  	[hbm4b:s12+s4] =	stream.linear.scatter [tilespmem:s18], [sflag:$0xB], $0x2800, $0x38;
	[tilespmem:$0x1E100] =	vst v63  }
0xf1: {  	_ =	swait.ge @!p1 [sflag:s9], $0x2800  }
0xf2: {  	[sflag:s9] =	ssyncset.done @!p1 $0x0  }
0xf3: {  	s17 =	sadd.s32 $0x2C80, s8;
	[sflag:s9] =	ssyncadd.s32 @!p1 $0xFFFFD800  }
0xf4: {  	[tilespmem:s30], [sflag:$0x8] =	stream.indirect.gather [hbm4b:s3+s10], $0x80, s17, s10, $0xb8;
	[tilespmem:$0x1E100] =	vst v63  }
0xf5: {  	s19 =	sadd.s32 $0x2, s15;
	_ =	swait.ge [sflag:s29], $0x2800  }
0xf6: {  	p0 =	sgt.u32 s19, $0x45;
	[sflag:s29] =	ssyncset.done $0x0  }
0xf7: {  	s20 =	sadd.s32 $0xFFFFEC00, s5;
	s9 =	simm.s32 @!p0 $0x13;
	[sflag:s29] =	ssyncadd.s32 $0xFFFFD800  }
0xf8: {  	[hbm4b:s20+s4] =	stream.linear.scatter [tilespmem:s22], [sflag:$0xC], $0x2800, $0x38;
	[tilespmem:$0x1E100] =	vst v63  }
0xf9: {  	_ =	swait.ge @!p0 [sflag:s9], $0x2800  }
0xfa: {  	[sflag:s9] =	ssyncset.done @!p0 $0x0  }
0xfb: {  	s12 =	sadd.s32 $0x2D00, s8;
	[sflag:s9] =	ssyncadd.s32 @!p0 $0xFFFFD800  }
0xfc: {  	[tilespmem:s24], [sflag:$0x9] =	stream.indirect.gather [hbm4b:s3+s10], $0x80, s12, s10, $0xb8;
	[tilespmem:$0x1E100] =	vst v63  }
0xfd: {  	_ =	swait.ge [sflag:s31], $0x2800  }
0xfe: {  	[sflag:s31] =	ssyncset.done $0x0  }
0xff: {  	s15 =	sadd.s32 $0xFFFFF100, s5;
	s9 =	simm.s32 @!p0 $0x14;
	[sflag:s31] =	ssyncadd.s32 $0xFFFFD800  }
0x100: {  	[hbm4b:s15+s4] =	stream.linear.scatter [tilespmem:s23], [sflag:$0xD], $0x2800, $0x38;
	[tilespmem:$0x1E100] =	vst v63  }
0x101: {  	_ =	swait.ge @!p0 [sflag:s9], $0x2800  }
0x102: {  	[sflag:s9] =	ssyncset.done @!p0 $0x0  }
0x103: {  	s17 =	sadd.s32 $0x2D80, s8;
	[sflag:s9] =	ssyncadd.s32 @!p0 $0xFFFFD800  }
0x104: {  	[tilespmem:s16], [sflag:$0xA] =	stream.indirect.gather [hbm4b:s3+s10], $0x80, s17, s10, $0xb8;
	[tilespmem:$0x1E100] =	vst v63  }
0x105: {  	_ =	swait.ge [sflag:s2], $0x2800  }
0x106: {  	p0 =	seq.s32 s6, $0x8C00;
	[sflag:s2] =	ssyncset.done $0x0  }
0x107: {  	s19 =	sadd.s32 $0xFFFFF600, s5;
	s8 =	simm.s32 @p0 $0x5;
	[sflag:s2] =	ssyncadd.s32 $0xFFFFD800  }
0x108: {  	[hbm4b:s19+s4] =	stream.linear.scatter [tilespmem:s25], [sflag:$0xE], $0x2800, $0x38;
	[tilespmem:$0x1E100] =	vst v63  }
0x109: {  	_ =	swait.ge @p0 [sflag:s8], $0x2800  }
0x10a: {  	s9 =	simm.s32 @p0 $0xF100;
	s12 =	simm.s32 @!p0 $0xB;
	[sflag:s8] =	ssyncset.done @p0 $0x0  }
0x10b: {  	s7 =	rddreg [dreg:$0x5];
	[sflag:s8] =	ssyncadd.s32 @p0 $0xFFFFD800;
	s8 =	simm.s32 @p0 $0x0  }
0x10c: {  	[hbm4b:s7+s8] =	stream.linear.scatter @p0 [tilespmem:s9], [sflag:$0xF], $0x2800, $0x38;
	[tilespmem:$0x1E100] =	vst v63  }
0x10d: {  	s6 =	sshra.s32 @!p0 s6, $0x2;
	_ =	swait.ge @!p0 [sflag:s12], $0x2800  }
0x10e: {  	s7 =	sadd.s32 @!p0 $0x2E00, s6;
	s8 =	simm.s32 @!p0 $0x50;
	[sflag:s12] =	ssyncset.done @!p0 $0x0  }
0x10f: {  	s9 =	simm.s32 @!p0 $0x5100;
	[sflag:s12] =	ssyncadd.s32 @!p0 $0xFFFFD800;
	s12 =	simm.s32 @!p0 $0x5  }
0x110: {  	[tilespmem:s9], [sflag:$0x1] =	stream.indirect.gather @!p0 [hbm4b:s3+s8], $0x80, s7, s8, $0xb8;
	[tilespmem:$0x1E100] =	vst v63  }
0x111: {  	_ =	swait.ge @!p0 [sflag:s12], $0x2800  }
0x112: {  	s7 =	simm.s32 @!p0 $0xF100;
	[sflag:s12] =	ssyncset.done @!p0 $0x0  }
0x113: {  	s9 =	sadd.s32 @!p0 $0xFFFFFB00, s5;
	[sflag:s12] =	ssyncadd.s32 @!p0 $0xFFFFD800;
	s12 =	simm.s32 @!p0 $0x0  }
0x114: {  	[hbm4b:s9+s12] =	stream.linear.scatter @!p0 [tilespmem:s7], [sflag:$0xF], $0x2800, $0x38;
	[tilespmem:$0x1E100] =	vst v63  }
0x115: {  	s9 =	simm.s32 @!p0 $0xC  }
0x116: {  	_ =	swait.ge @!p0 [sflag:s9], $0x2800  }
0x117: {  	[sflag:s9] =	ssyncset.done @!p0 $0x0  }
0x118: {  	s12 =	sadd.s32 @!p0 $0x2E80, s6;
	[sflag:s9] =	ssyncadd.s32 @!p0 $0xFFFFD800;
	s9 =	simm.s32 @!p0 $0x7900  }
0x119: {  	[tilespmem:s9], [sflag:$0x2] =	stream.indirect.gather @!p0 [hbm4b:s3+s8], $0x80, s12, s8, $0xb8;
	[tilespmem:$0x1E100] =	vst v63  }
0x11a: {  	_ =	swait.ge [sflag:s0], $0x2800  }
0x11b: {  	[sflag:s0] =	ssyncset.done $0x0  }
0x11c: {  	s20 =	simm.s32 $0x11900;
	s9 =	simm.s32 @!p0 $0xD;
	[sflag:s0] =	ssyncadd.s32 $0xFFFFD800  }
0x11d: {  	[hbm4b:s5+s4] =	stream.linear.scatter [tilespmem:s20], [sflag:$0x10], $0x2800, $0x38;
	[tilespmem:$0x1E100] =	vst v63  }
0x11e: {  	_ =	swait.ge @!p0 [sflag:s9], $0x2800  }
0x11f: {  	[sflag:s9] =	ssyncset.done @!p0 $0x0  }
0x120: {  	s12 =	sadd.s32 @!p0 $0x2F00, s6;
	[sflag:s9] =	ssyncadd.s32 @!p0 $0xFFFFD800;
	s9 =	simm.s32 @!p0 $0xA100  }
0x121: {  	[tilespmem:s9], [sflag:$0x3] =	stream.indirect.gather @!p0 [hbm4b:s3+s8], $0x80, s12, s8, $0xb8;
	[tilespmem:$0x1E100] =	vst v63  }
0x122: {  	_ =	swait.ge [sflag:s1], $0x2800  }
0x123: {  	[sflag:s1] =	ssyncset.done $0x0  }
0x124: {  	s0 =	sadd.s32 $0x500, s5;
	s12 =	simm.s32 @!p0 $0xE;
	[sflag:s1] =	ssyncadd.s32 $0xFFFFD800  }
0x125: {  	[hbm4b:s0+s4] =	stream.linear.scatter [tilespmem:s28], [sflag:$0x11], $0x2800, $0x38;
	[tilespmem:$0x1E100] =	vst v63  }
0x126: {  	_ =	swait.ge @!p0 [sflag:s12], $0x2800  }
0x127: {  	[sflag:s12] =	ssyncset.done @!p0 $0x0  }
0x128: {  	s9 =	sadd.s32 @!p0 $0x2F80, s6;
	[sflag:s12] =	ssyncadd.s32 @!p0 $0xFFFFD800;
	s12 =	simm.s32 @!p0 $0xC900  }
0x129: {  	[tilespmem:s12], [sflag:$0x4] =	stream.indirect.gather @!p0 [hbm4b:s3+s8], $0x80, s9, s8, $0xb8;
	[tilespmem:$0x1E100] =	vst v63  }
0x12a: {  	_ =	swait.ge [sflag:s11], $0x2800  }
0x12b: {  	[sflag:s11] =	ssyncset.done $0x0  }
0x12c: {  	s2 =	sadd.s32 $0xA00, s5;
	s9 =	simm.s32 @!p0 $0xF;
	[sflag:s11] =	ssyncadd.s32 $0xFFFFD800  }
0x12d: {  	[hbm4b:s2+s4] =	stream.linear.scatter [tilespmem:s30], [sflag:$0x12], $0x2800, $0x38;
	[tilespmem:$0x1E100] =	vst v63  }
0x12e: {  	_ =	swait.ge @!p0 [sflag:s9], $0x2800  }
0x12f: {  	[sflag:s9] =	ssyncset.done @!p0 $0x0  }
0x130: {  	[sflag:s9] =	ssyncadd.s32 @!p0 $0xFFFFD800;
	s9 =	sadd.s32 @!p0 $0x3000, s6  }
0x131: {  	[tilespmem:s7], [sflag:$0x5] =	stream.indirect.gather @!p0 [hbm4b:s3+s8], $0x80, s9, s8, $0xb8;
	[tilespmem:$0x1E100] =	vst v63  }
0x132: {  	_ =	swait.ge [sflag:s14], $0x2800  }
0x133: {  	[sflag:s14] =	ssyncset.done $0x0  }
0x134: {  	s7 =	sadd.s32 $0xF00, s5;
	s5 =	simm.s32 @!p0 $0x10;
	[sflag:s14] =	ssyncadd.s32 $0xFFFFD800  }
0x135: {  	[hbm4b:s7+s4] =	stream.linear.scatter [tilespmem:s24], [sflag:$0x13], $0x2800, $0x38;
	[tilespmem:$0x1E100] =	vst v63  }
0x136: {  	_ =	swait.ge @!p0 [sflag:s5], $0x2800  }
0x137: {  	[sflag:s5] =	ssyncset.done @!p0 $0x0  }
0x138: {  	s6 =	sadd.s32 @!p0 $0x3080, s6;
	[sflag:s5] =	ssyncadd.s32 @!p0 $0xFFFFD800;
	s5 =	simm.s32 @!p0 $0x11900  }
0x139: {  	[tilespmem:s5], [sflag:$0x6] =	stream.indirect.gather @!p0 [hbm4b:s3+s8], $0x80, s6, s8, $0xb8;
	[tilespmem:$0x1E100] =	vst v63  }
0x13a: {  	_ =	swait.ge [sflag:s13], $0x2800  }
0x13b: {  	[sflag:s13] =	ssyncset.done $0x0  }
0x13c: {  	s8 =	simm.s32 $0xB;
	[sflag:s13] =	ssyncadd.s32 $0xFFFFD800  }
0x13d: {  	[hbm4b:s21+s4] =	stream.linear.scatter [tilespmem:s16], [sflag:$0x14], $0x2800, $0x38;
	[tilespmem:$0x1E100] =	vst v63  }
0x13e: {  	_ =	swait.ge [sflag:s8], $0x2800  }
0x13f: {  	[sflag:s8] =	ssyncset.done $0x0  }
0x140: {  	s9 =	simm.s32 $0xC;
	[sflag:s8] =	ssyncadd.s32 $0xFFFFD800  }
0x141: {  	_ =	swait.ge [sflag:s9], $0x2800  }
0x142: {  	[sflag:s9] =	ssyncset.done $0x0  }
0x143: {  	s11 =	simm.s32 $0xD;
	[sflag:s9] =	ssyncadd.s32 $0xFFFFD800  }
0x144: {  	_ =	swait.ge [sflag:s11], $0x2800  }
0x145: {  	[sflag:s11] =	ssyncset.done $0x0  }
0x146: {  	s12 =	simm.s32 $0xE;
	[sflag:s11] =	ssyncadd.s32 $0xFFFFD800  }
0x147: {  	_ =	swait.ge [sflag:s12], $0x2800  }
0x148: {  	[sflag:s12] =	ssyncset.done $0x0  }
0x149: {  	s14 =	simm.s32 $0xF;
	[sflag:s12] =	ssyncadd.s32 $0xFFFFD800  }
0x14a: {  	_ =	swait.ge [sflag:s14], $0x2800  }
0x14b: {  	[sflag:s14] =	ssyncset.done $0x0  }
0x14c: {  	s15 =	simm.s32 $0x10;
	[sflag:s14] =	ssyncadd.s32 $0xFFFFD800  }
0x14d: {  	_ =	swait.ge [sflag:s15], $0x2800  }
0x14e: {  	[sflag:s15] =	ssyncset.done $0x0  }
0x14f: {  	s16 =	simm.s32 $0x11;
	[sflag:s15] =	ssyncadd.s32 $0xFFFFD800  }
0x150: {  	_ =	swait.ge [sflag:s16], $0x2800  }
0x151: {  	[sflag:s16] =	ssyncset.done $0x0  }
0x152: {  	s17 =	simm.s32 $0x12;
	[sflag:s16] =	ssyncadd.s32 $0xFFFFD800  }
0x153: {  	_ =	swait.ge [sflag:s17], $0x2800  }
0x154: {  	[sflag:s17] =	ssyncset.done $0x0  }
0x155: {  	s19 =	simm.s32 $0x13;
	[sflag:s17] =	ssyncadd.s32 $0xFFFFD800  }
0x156: {  	_ =	swait.ge [sflag:s19], $0x2800  }
0x157: {  	[sflag:s19] =	ssyncset.done $0x0  }
0x158: {  	s20 =	simm.s32 $0x14;
	[sflag:s19] =	ssyncadd.s32 $0xFFFFD800  }
0x159: {  	_ =	swait.ge [sflag:s20], $0x2800  }
0x15a: {  	s21 =	rddreg [dreg:$0xa]  }
0x15b: {  	s24 =	rddreg [dreg:$0x7];
	s1 =	sadd.s32 $0x1, s21  }
0x15c: {  	p0 =	sne.s32 s1, s24  }
.Ltmp2:
0x15d: {  	_ = 	snop;
	(pc) =	sbr.rel @p0 .LBB2_1-.Ltmp2, $4  }
0x15e: {  	_ = 	snop  }
0x15f: {  	s2 =	simm.s32 $0x1B900;
	s11 =	simm.s32 $0x8;
	[sflag:s20] =	ssyncset.done $0x0  }
0x160: {  	s19 =	simm.s32 $0x11900;
	s7 =	rddreg [dreg:$0x8];
	[sflag:s20] =	ssyncadd.s32 $0xFFFFD800  }
0x161: {  	s20 =	simm.s32 $0x14100;
	s21 =	simm.s32 $0x16900;
	s24 =	simm.s32 $0x19100  }
0x162: {  	_ =	sfence.sel $0x180000  }
0x163: {  	[bflag:$0x0] =	sbarrier.arrive $0xFFFF  }
0x164: {  	_ =	strace $0x90000047  }
0x165: {  	s0 =	stileid.u32;
	[bflag:$0x2] =	sbarrier.arrive $0xFFFF  }
0x166: {  	p0 =	sne.s32 s0, $0x0;
	s0 =	rddreg [dreg:$0x4]  }
0x167: {  	s0 =	sadd.s32 @!p0 $0x100000, s0  }
0x168: {  	[sflag:s0] =	ssyncadd.tile.s32 @!p0 $0x1;
	_ =	shalt  }
.Lfunc_end2:
_tile_overlayer_lowered:
.L_overlay_start_2:
0x169: {  	(tag) =	ssettag $0x2  }
0x16a: {  	s0 =	rddreg [dreg:$0x0];
	s2 =	stileid.u32  }
0x16b: {  	s1 =	rddreg [dreg:$0x1];
	p0 =	sne.s32 s2, $0x0  }
0x16c: {  	s3 =	rddreg [dreg:$0x2];
	[bflag:$0x3] =	sbarrier.arrive $0xFFFF;
	s2 =	simm.s32 @!p0 $0x1C15  }
0x16d: {  	[timem:s3], [sflag:s2] =	dma.local @!p0 [hbm:s0], s1  }
0x16e: {  	s0 =	simm.s32 @!p0 $0x15  }
0x16f: {  	_ =	swait.ge @!p0 [sflag:s0], s1  }
0x170: {  	s1 =	ssub.s32 @!p0 $0x0, s1;
	[sflag:s0] =	ssyncset.done @!p0 $0x0  }
0x171: {  	[sflag:s0] =	ssyncadd.s32 @!p0 s1  }
0x172: {  	[bflag:$0x3] =	sbarrier.arrive $0xFFFF  }
0x173: {  	_ =	shalt  }

</sc_bundles>
